<compile_context>
chip_gen: v7x
topology: tpu7x:2x2x1
jax: 0.10.2.dev20260603
libtpu: 0.0.44.dev20260713+nightly
codegen_flags: <defaults>
</compile_context>

<pallas_src>
import jax
import jax.numpy as jnp
from jax import lax
from jax.experimental import pallas as pl
from jax.experimental.pallas import tpu as pltpu
from jax.experimental.pallas import tpu_sc as plsc

NUM_NODES = 10000
NPAD = 10240
NC = 2
NS = 16
NW = NC * NS
CHUNK = 128
H = 128
BN = 1000

_CHPT = NPAD // CHUNK // NS
_ROWS = NPAD // NS



def _sc_mesh():
    return plsc.VectorSubcoreMesh(core_axis_name="c", subcore_axis_name="s")


def _make_sc_segsum(nch):
    out_type = jax.ShapeDtypeStruct((NC, NPAD, H), jnp.float32)
    scratch = [
        pltpu.VMEM((nch, CHUNK), jnp.int32),
        pltpu.VMEM((nch, CHUNK), jnp.int32),
        pltpu.VMEM((CHUNK, H), jnp.float32),
        pltpu.VMEM_SHARED((NPAD, H), jnp.float32),
    ]

    def body(table, src_idx, dst_idx, zeros_w, out, isrc, idst, buf, acc):
        c = lax.axis_index("c")
        s = lax.axis_index("s")
        wid = c * NS + s

        pltpu.sync_copy(src_idx.at[wid], isrc)
        pltpu.sync_copy(dst_idx.at[wid], idst)
        pltpu.sync_copy(zeros_w, buf)
        for k in range(_CHPT):
            pltpu.sync_copy(buf, acc.at[pl.ds((s * _CHPT + k) * CHUNK, CHUNK)])
        plsc.subcore_barrier()

        def step(j, carry):
            pltpu.sync_copy(table.at[isrc.at[j]], buf)
            pltpu.sync_copy(buf, acc.at[idst.at[j]], add=True)
            return carry

        lax.fori_loop(0, nch, step, 0)
        plsc.subcore_barrier()

        pltpu.sync_copy(acc.at[pl.ds(s * _ROWS, _ROWS)],
                        out.at[c].at[pl.ds(s * _ROWS, _ROWS)])

    return pl.kernel(body, out_type=out_type, mesh=_sc_mesh(),
                     scratch_types=scratch)


def _make_sc_degree(nch):
    out_type = jax.ShapeDtypeStruct((NC, NPAD, H), jnp.float32)
    scratch = [
        pltpu.VMEM((nch, CHUNK), jnp.int32),
        pltpu.VMEM((2, CHUNK, H), jnp.float32),
        pltpu.VMEM_SHARED((NPAD, H), jnp.float32),
    ]

    def body(dst_idx, zo_in, out, idst, buf, dacc):
        c = lax.axis_index("c")
        s = lax.axis_index("s")
        wid = c * NS + s

        pltpu.sync_copy(dst_idx.at[wid], idst)
        pltpu.sync_copy(zo_in, buf)
        for k in range(_CHPT):
            pltpu.sync_copy(buf.at[0],
                            dacc.at[pl.ds((s * _CHPT + k) * CHUNK, CHUNK)])
        plsc.subcore_barrier()

        def step(j, carry):
            pltpu.sync_copy(buf.at[1], dacc.at[idst.at[j]], add=True)
            return carry

        lax.fori_loop(0, nch, step, 0)
        plsc.subcore_barrier()

        pltpu.sync_copy(dacc.at[pl.ds(s * _ROWS, _ROWS)],
                        out.at[c].at[pl.ds(s * _ROWS, _ROWS)])

    return pl.kernel(body, out_type=out_type, mesh=_sc_mesh(),
                     scratch_types=scratch)



def _dot_t(a, w):
    return lax.dot_general(a, w, (((1,), (1,)), ((), ())),
                           preferred_element_type=jnp.float32)


def _layer_tail(pre, g, be):
    r = jnp.maximum(pre, 0.0)
    mu = jnp.mean(r, axis=-1, keepdims=True)
    var = jnp.mean((r - mu) ** 2, axis=-1, keepdims=True)
    return (r - mu) * lax.rsqrt(var + 1e-5) * g + be


def _tc_first_body(x, wl, y):
    y[...] = _dot_t(x[...], wl[...])


def _tc_mid1_body(x, s, deg, wr, b, g, be, wlnext, h_out, y_out, inv_out):
    inv = 1.0 / jnp.maximum(deg[0] + deg[1], 1.0)
    pre = (s[0] + s[1]) * inv + _dot_t(x[...], wr[...]) + b[...]
    hval = _layer_tail(pre, g[...], be[...])
    h_out[...] = hval
    y_out[...] = _dot_t(hval, wlnext[...])
    inv_out[...] = inv


def _tc_mid2_body(hprev, s, inv, wr, b, g, be, h_out):
    pre = (s[0] + s[1]) * inv[...] + _dot_t(hprev[...], wr[...]) + b[...]
    h_out[...] = _layer_tail(pre, g[...], be[...])


def _tc_last_body(hprev, s, inv, wl, wr, b, out):
    agg = (s[0] + s[1]) * inv[...]
    out[...] = _dot_t(agg, wl[...]) + _dot_t(hprev[...], wr[...]) + b[...]


def _row_spec(w):
    return pl.BlockSpec((BN, w), lambda i: (i, 0))


def _pair_spec(w):
    return pl.BlockSpec((NC, BN, w), lambda i: (0, i, 0))


def _full_spec(r, c):
    return pl.BlockSpec((r, c), lambda i: (0, 0))


def _f32(*shape):
    return jax.ShapeDtypeStruct(shape, jnp.float32)


def _tc_first(x, wl):
    return pl.pallas_call(
        _tc_first_body,
        grid=(NUM_NODES // BN,),
        in_specs=[_row_spec(H), _full_spec(H, H)],
        out_specs=_row_spec(H),
        out_shape=_f32(NUM_NODES, H),
    )(x, wl)


def _tc_mid1(x, s, deg, wr, b, g, be, wlnext):
    return pl.pallas_call(
        _tc_mid1_body,
        grid=(NUM_NODES // BN,),
        in_specs=[_row_spec(H), _pair_spec(H), _pair_spec(H),
                  _full_spec(H, H), _full_spec(1, H), _full_spec(1, H),
                  _full_spec(1, H), _full_spec(H, H)],
        out_specs=[_row_spec(H), _row_spec(H), _row_spec(H)],
        out_shape=[_f32(NUM_NODES, H), _f32(NUM_NODES, H),
                   _f32(NUM_NODES, H)],
    )(x, s, deg, wr, b, g, be, wlnext)


def _tc_mid2(hprev, s, inv, wr, b, g, be):
    return pl.pallas_call(
        _tc_mid2_body,
        grid=(NUM_NODES // BN,),
        in_specs=[_row_spec(H), _pair_spec(H), _row_spec(H),
                  _full_spec(H, H), _full_spec(1, H), _full_spec(1, H),
                  _full_spec(1, H)],
        out_specs=_row_spec(H),
        out_shape=_f32(NUM_NODES, H),
    )(hprev, s, inv, wr, b, g, be)


def _tc_last(hprev, s, inv, wl, wr, b):
    return pl.pallas_call(
        _tc_last_body,
        grid=(NUM_NODES // BN,),
        in_specs=[_row_spec(H), _pair_spec(H), _row_spec(H),
                  _full_spec(64, H), _full_spec(64, H), _full_spec(1, 64)],
        out_specs=_row_spec(64),
        out_shape=_f32(NUM_NODES, 64),
    )(hprev, s, inv, wl, wr, b)



@jax.jit
def kernel(x, edge_index, Wl1, Wr1, b1, g1, be1, Wl2, Wr2, b2, g2, be2,
           Wl3, Wr3, b3):
    E = edge_index.shape[1]
    e_pw = -(-E // NW)
    nch = -(-e_pw // CHUNK)
    pad = NW * nch * CHUNK - E

    src = jnp.concatenate(
        [edge_index[0], jnp.zeros((pad,), jnp.int32)]).reshape(NW, nch, CHUNK)
    dst = jnp.concatenate(
        [edge_index[1],
         jnp.full((pad,), NUM_NODES, jnp.int32)]).reshape(NW, nch, CHUNK)

    zeros_w = jnp.zeros((CHUNK, H), jnp.float32)
    zo = jnp.stack([zeros_w, jnp.ones((CHUNK, H), jnp.float32)])

    b1r, g1r, be1r = b1.reshape(1, -1), g1.reshape(1, -1), be1.reshape(1, -1)
    b2r, g2r, be2r = b2.reshape(1, -1), g2.reshape(1, -1), be2.reshape(1, -1)
    b3r = b3.reshape(1, -1)

    sc_segsum = _make_sc_segsum(nch)
    sc_degree = _make_sc_degree(nch)

    degraw = sc_degree(dst, zo)
    y1 = _tc_first(x, Wl1)
    s1 = sc_segsum(y1, src, dst, zeros_w)
    h1, y2, inv = _tc_mid1(x, s1, degraw, Wr1, b1r, g1r, be1r, Wl2)
    s2 = sc_segsum(y2, src, dst, zeros_w)
    h2 = _tc_mid2(h1, s2, inv, Wr2, b2r, g2r, be2r)
    s3 = sc_segsum(h2, src, dst, zeros_w)
    out = _tc_last(h2, s3, inv, Wl3, Wr3, b3r)
    return out

# --- scband reference (transcript-rebuilt; emitter-appended) ---
"""Pipeline reference for scband-gnn-encoder-45260365365373 (READ-ONLY COPY).

The authoritative reference and input builder live on the scoring server;
editing this copy changes nothing except your own understanding.
"""

import jax, jax.numpy as jnp
import numpy as np

N = 10000
E = 320000
D_IN = 128
H = 128
D_OUT = 64


def _sage_conv(x, src, dst, W_l, W_r, b, n_nodes):
    # PyG SAGEConv (aggr='mean', root_weight=True):
    # out = lin_l(mean_{j in N(i)} x_j) + lin_r(x_i)
    msg = jnp.take(x, src, axis=0)
    agg_sum = jax.ops.segment_sum(msg, dst, num_segments=n_nodes)
    deg = jax.ops.segment_sum(jnp.ones((msg.shape[0],), dtype=x.dtype), dst, num_segments=n_nodes)
    agg = agg_sum / jnp.maximum(deg, 1.0)[:, None]
    return agg @ W_l.T + x @ W_r.T + b


def _layer_norm(x, gamma, beta, eps=1e-5):
    mu = jnp.mean(x, axis=-1, keepdims=True)
    var = jnp.mean((x - mu) ** 2, axis=-1, keepdims=True)
    return (x - mu) / jnp.sqrt(var + eps) * gamma + beta


def setup_inputs(seed: int = 0) -> dict:
    key = jax.random.key(seed)
    ks = jax.random.split(key, 12)
    x = jax.random.normal(ks[0], (N, D_IN), dtype=jnp.float32)
    edge_index = jax.random.randint(ks[1], (2, E), 0, N, dtype=jnp.int32)
    s1 = 1.0 / np.sqrt(D_IN)
    s2 = 1.0 / np.sqrt(H)
    Wl1 = jax.random.normal(ks[2], (H, D_IN), dtype=jnp.float32) * s1
    Wr1 = jax.random.normal(ks[3], (H, D_IN), dtype=jnp.float32) * s1
    b1 = jnp.zeros((H,), dtype=jnp.float32)
    g1 = jnp.ones((H,), dtype=jnp.float32)
    be1 = jnp.zeros((H,), dtype=jnp.float32)
    Wl2 = jax.random.normal(ks[4], (H, H), dtype=jnp.float32) * s2
    Wr2 = jax.random.normal(ks[5], (H, H), dtype=jnp.float32) * s2
    b2 = jnp.zeros((H,), dtype=jnp.float32)
    g2 = jnp.ones((H,), dtype=jnp.float32)
    be2 = jnp.zeros((H,), dtype=jnp.float32)
    Wl3 = jax.random.normal(ks[6], (D_OUT, H), dtype=jnp.float32) * s2
    Wr3 = jax.random.normal(ks[7], (D_OUT, H), dtype=jnp.float32) * s2
    b3 = jnp.zeros((D_OUT,), dtype=jnp.float32)
    return {
        "x": x, "edge_index": edge_index,
        "Wl1": Wl1, "Wr1": Wr1, "b1": b1, "g1": g1, "be1": be1,
        "Wl2": Wl2, "Wr2": Wr2, "b2": b2, "g2": g2, "be2": be2,
        "Wl3": Wl3, "Wr3": Wr3, "b3": b3,
    }


def reference(x, edge_index, Wl1, Wr1, b1, g1, be1, Wl2, Wr2, b2, g2, be2, Wl3, Wr3, b3):
    src = edge_index[0]
    dst = edge_index[1]
    n_nodes = x.shape[0]
    h = jax.nn.relu(_sage_conv(x, src, dst, Wl1, Wr1, b1, n_nodes))
    h = _layer_norm(h, g1, be1)
    h = jax.nn.relu(_sage_conv(h, src, dst, Wl2, Wr2, b2, n_nodes))
    h = _layer_norm(h, g2, be2)
    out = _sage_conv(h, src, dst, Wl3, Wr3, b3, n_nodes)
    return out

if __name__ == "__main__":
    import jax
    _d = setup_inputs()
    print(jax.jit(kernel)(*tuple(_d.values())))

</pallas_src>

<mosaic_0001>
#map = affine_map<(d0, d1) -> (0, 0)>
#map1 = affine_map<(d0, d1) -> (0, 0, 0)>
module attributes {stable_mosaic.version = 14 : i64} {
  func.func @body(%arg0: i32, %arg1: i32, %arg2: memref<10000x128xf32, #tpu.memory_space<hbm>>, %arg3: memref<32x79x128xi32, #tpu.memory_space<hbm>>, %arg4: memref<32x79x128xi32, #tpu.memory_space<hbm>>, %arg5: memref<128x128xf32, #tpu.memory_space<hbm>>, %arg6: memref<2x10240x128xf32, #tpu.memory_space<hbm>>, %arg7: memref<79x128xi32, #tpu.memory_space<vmem>>, %arg8: memref<79x128xi32, #tpu.memory_space<vmem>>, %arg9: memref<128x128xf32, #tpu.memory_space<vmem>>, %arg10: memref<10240x128xf32, #tpu.memory_space<vmem_shared>>) attributes {dimension_semantics = [#tpu.dimension_semantics<core_parallel>, #tpu.dimension_semantics<subcore_parallel>], iteration_bounds = array<i64: 2, 16>, scalar_prefetch = 0 : i64, scratch_operands = 4 : i64, tpu.core_type = #tpu.core_type<sc_vector_subcore>, window_params = [{transform_indices = #map}, {transform_indices = #map1}, {transform_indices = #map1}, {transform_indices = #map}, {transform_indices = #map1}]} {
    %mul3A = arith.constant 16 : i32
    %mul3A_0 = arith.muli %arg0, %mul3A : i32
    %add3A = arith.addi %mul3A_0, %arg1 : i32
    "tpu.region"() ({
      %run_scoped3A = tpu.sem_alloc : memref<!tpu.dma_semaphore, #tpu.memory_space<semaphore_mem>>
      %dma_start3A = arith.constant 0 : i32
      %dma_start3A_41 = arith.constant 0 : i32
      %dma_start3A_42 = tpu.memref_slice %arg3[%add3A, %dma_start3A, %dma_start3A_41] : memref<32x79x128xi32, #tpu.memory_space<hbm>> -> memref<1x79x128xi32, #tpu.memory_space<hbm>>
      %dma_start3A_43 = tpu.memref_squeeze %dma_start3A_42 : memref<1x79x128xi32, #tpu.memory_space<hbm>> -> memref<79x128xi32, #tpu.memory_space<hbm>>
      %dma_start3A_44 = arith.constant 0 : i32
      %dma_start3A_45 = arith.constant 0 : i32
      %dma_start3A_46 = tpu.memref_slice %arg3[%add3A, %dma_start3A_44, %dma_start3A_45] : memref<32x79x128xi32, #tpu.memory_space<hbm>> -> memref<1x79x128xi32, #tpu.memory_space<hbm>>
      %dma_start3A_47 = tpu.memref_squeeze %dma_start3A_46 : memref<1x79x128xi32, #tpu.memory_space<hbm>> -> memref<79x128xi32, #tpu.memory_space<hbm>>
      tpu.enqueue_dma source(%dma_start3A_47 : memref<79x128xi32, #tpu.memory_space<hbm>>) target(%arg7 : memref<79x128xi32, #tpu.memory_space<vmem>>) target_semaphore(%run_scoped3A : memref<!tpu.dma_semaphore, #tpu.memory_space<semaphore_mem>>)
      %dma_wait3A = arith.constant 0 : i32
      %dma_wait3A_48 = arith.constant 0 : i32
      %dma_wait3A_49 = tpu.memref_slice %arg3[%add3A, %dma_wait3A, %dma_wait3A_48] : memref<32x79x128xi32, #tpu.memory_space<hbm>> -> memref<1x79x128xi32, #tpu.memory_space<hbm>>
      %dma_wait3A_50 = tpu.memref_squeeze %dma_wait3A_49 : memref<1x79x128xi32, #tpu.memory_space<hbm>> -> memref<79x128xi32, #tpu.memory_space<hbm>>
      %dma_wait3A_51 = arith.constant 0 : i32
      %dma_wait3A_52 = arith.constant 0 : i32
      %dma_wait3A_53 = tpu.memref_slice %arg3[%add3A, %dma_wait3A_51, %dma_wait3A_52] : memref<32x79x128xi32, #tpu.memory_space<hbm>> -> memref<1x79x128xi32, #tpu.memory_space<hbm>>
      %dma_wait3A_54 = tpu.memref_squeeze %dma_wait3A_53 : memref<1x79x128xi32, #tpu.memory_space<hbm>> -> memref<79x128xi32, #tpu.memory_space<hbm>>
      tpu.wait_dma2 semaphore(%run_scoped3A : memref<!tpu.dma_semaphore, #tpu.memory_space<semaphore_mem>>) src(%dma_wait3A_54 : memref<79x128xi32, #tpu.memory_space<hbm>>) dst(%arg7 : memref<79x128xi32, #tpu.memory_space<vmem>>)
      tpu.yield
    }) : () -> ()
    "tpu.region"() ({
      %run_scoped3A = tpu.sem_alloc : memref<!tpu.dma_semaphore, #tpu.memory_space<semaphore_mem>>
      %dma_start3A = arith.constant 0 : i32
      %dma_start3A_41 = arith.constant 0 : i32
      %dma_start3A_42 = tpu.memref_slice %arg4[%add3A, %dma_start3A, %dma_start3A_41] : memref<32x79x128xi32, #tpu.memory_space<hbm>> -> memref<1x79x128xi32, #tpu.memory_space<hbm>>
      %dma_start3A_43 = tpu.memref_squeeze %dma_start3A_42 : memref<1x79x128xi32, #tpu.memory_space<hbm>> -> memref<79x128xi32, #tpu.memory_space<hbm>>
      %dma_start3A_44 = arith.constant 0 : i32
      %dma_start3A_45 = arith.constant 0 : i32
      %dma_start3A_46 = tpu.memref_slice %arg4[%add3A, %dma_start3A_44, %dma_start3A_45] : memref<32x79x128xi32, #tpu.memory_space<hbm>> -> memref<1x79x128xi32, #tpu.memory_space<hbm>>
      %dma_start3A_47 = tpu.memref_squeeze %dma_start3A_46 : memref<1x79x128xi32, #tpu.memory_space<hbm>> -> memref<79x128xi32, #tpu.memory_space<hbm>>
      tpu.enqueue_dma source(%dma_start3A_47 : memref<79x128xi32, #tpu.memory_space<hbm>>) target(%arg8 : memref<79x128xi32, #tpu.memory_space<vmem>>) target_semaphore(%run_scoped3A : memref<!tpu.dma_semaphore, #tpu.memory_space<semaphore_mem>>)
      %dma_wait3A = arith.constant 0 : i32
      %dma_wait3A_48 = arith.constant 0 : i32
      %dma_wait3A_49 = tpu.memref_slice %arg4[%add3A, %dma_wait3A, %dma_wait3A_48] : memref<32x79x128xi32, #tpu.memory_space<hbm>> -> memref<1x79x128xi32, #tpu.memory_space<hbm>>
      %dma_wait3A_50 = tpu.memref_squeeze %dma_wait3A_49 : memref<1x79x128xi32, #tpu.memory_space<hbm>> -> memref<79x128xi32, #tpu.memory_space<hbm>>
      %dma_wait3A_51 = arith.constant 0 : i32
      %dma_wait3A_52 = arith.constant 0 : i32
      %dma_wait3A_53 = tpu.memref_slice %arg4[%add3A, %dma_wait3A_51, %dma_wait3A_52] : memref<32x79x128xi32, #tpu.memory_space<hbm>> -> memref<1x79x128xi32, #tpu.memory_space<hbm>>
      %dma_wait3A_54 = tpu.memref_squeeze %dma_wait3A_53 : memref<1x79x128xi32, #tpu.memory_space<hbm>> -> memref<79x128xi32, #tpu.memory_space<hbm>>
      tpu.wait_dma2 semaphore(%run_scoped3A : memref<!tpu.dma_semaphore, #tpu.memory_space<semaphore_mem>>) src(%dma_wait3A_54 : memref<79x128xi32, #tpu.memory_space<hbm>>) dst(%arg8 : memref<79x128xi32, #tpu.memory_space<vmem>>)
      tpu.yield
    }) : () -> ()
    "tpu.region"() ({
      %run_scoped3A = tpu.sem_alloc : memref<!tpu.dma_semaphore, #tpu.memory_space<semaphore_mem>>
      tpu.enqueue_dma source(%arg5 : memref<128x128xf32, #tpu.memory_space<hbm>>) target(%arg9 : memref<128x128xf32, #tpu.memory_space<vmem>>) target_semaphore(%run_scoped3A : memref<!tpu.dma_semaphore, #tpu.memory_space<semaphore_mem>>)
      tpu.wait_dma2 semaphore(%run_scoped3A : memref<!tpu.dma_semaphore, #tpu.memory_space<semaphore_mem>>) src(%arg5 : memref<128x128xf32, #tpu.memory_space<hbm>>) dst(%arg9 : memref<128x128xf32, #tpu.memory_space<vmem>>)
      tpu.yield
    }) : () -> ()
    %mul3A_1 = arith.constant 5 : i32
    %mul3A_2 = arith.muli %arg1, %mul3A_1 : i32
    %add3A_3 = arith.constant 0 : i32
    %add3A_4 = arith.addi %mul3A_2, %add3A_3 : i32
    %mul3A_5 = arith.constant 128 : i32
    %mul3A_6 = arith.muli %add3A_4, %mul3A_5 : i32
    "tpu.region"() ({
      %run_scoped3A = tpu.sem_alloc : memref<!tpu.dma_semaphore, #tpu.memory_space<semaphore_mem>>
      %dma_start3A = arith.constant 0 : i32
      %dma_start3A_41 = tpu.memref_slice %arg10[%mul3A_6, %dma_start3A] : memref<10240x128xf32, #tpu.memory_space<vmem_shared>> -> memref<128x128xf32, #tpu.memory_space<vmem_shared>>
      %dma_start3A_42 = arith.constant 0 : i32
      %dma_start3A_43 = tpu.memref_slice %arg10[%mul3A_6, %dma_start3A_42] : memref<10240x128xf32, #tpu.memory_space<vmem_shared>> -> memref<128x128xf32, #tpu.memory_space<vmem_shared>>
      tpu.enqueue_dma source(%arg9 : memref<128x128xf32, #tpu.memory_space<vmem>>) target(%dma_start3A_43 : memref<128x128xf32, #tpu.memory_space<vmem_shared>>) target_semaphore(%run_scoped3A : memref<!tpu.dma_semaphore, #tpu.memory_space<semaphore_mem>>)
      %dma_wait3A = arith.constant 0 : i32
      %dma_wait3A_44 = tpu.memref_slice %arg10[%mul3A_6, %dma_wait3A] : memref<10240x128xf32, #tpu.memory_space<vmem_shared>> -> memref<128x128xf32, #tpu.memory_space<vmem_shared>>
      %dma_wait3A_45 = arith.constant 0 : i32
      %dma_wait3A_46 = tpu.memref_slice %arg10[%mul3A_6, %dma_wait3A_45] : memref<10240x128xf32, #tpu.memory_space<vmem_shared>> -> memref<128x128xf32, #tpu.memory_space<vmem_shared>>
      tpu.wait_dma2 semaphore(%run_scoped3A : memref<!tpu.dma_semaphore, #tpu.memory_space<semaphore_mem>>) src(%arg9 : memref<128x128xf32, #tpu.memory_space<vmem>>) dst(%dma_wait3A_46 : memref<128x128xf32, #tpu.memory_space<vmem_shared>>)
      tpu.yield
    }) : () -> ()
    %mul3A_7 = arith.constant 5 : i32
    %mul3A_8 = arith.muli %arg1, %mul3A_7 : i32
    %add3A_9 = arith.constant 1 : i32
    %add3A_10 = arith.addi %mul3A_8, %add3A_9 : i32
    %mul3A_11 = arith.constant 128 : i32
    %mul3A_12 = arith.muli %add3A_10, %mul3A_11 : i32
    "tpu.region"() ({
      %run_scoped3A = tpu.sem_alloc : memref<!tpu.dma_semaphore, #tpu.memory_space<semaphore_mem>>
      %dma_start3A = arith.constant 0 : i32
      %dma_start3A_41 = tpu.memref_slice %arg10[%mul3A_12, %dma_start3A] : memref<10240x128xf32, #tpu.memory_space<vmem_shared>> -> memref<128x128xf32, #tpu.memory_space<vmem_shared>>
      %dma_start3A_42 = arith.constant 0 : i32
      %dma_start3A_43 = tpu.memref_slice %arg10[%mul3A_12, %dma_start3A_42] : memref<10240x128xf32, #tpu.memory_space<vmem_shared>> -> memref<128x128xf32, #tpu.memory_space<vmem_shared>>
      tpu.enqueue_dma source(%arg9 : memref<128x128xf32, #tpu.memory_space<vmem>>) target(%dma_start3A_43 : memref<128x128xf32, #tpu.memory_space<vmem_shared>>) target_semaphore(%run_scoped3A : memref<!tpu.dma_semaphore, #tpu.memory_space<semaphore_mem>>)
      %dma_wait3A = arith.constant 0 : i32
      %dma_wait3A_44 = tpu.memref_slice %arg10[%mul3A_12, %dma_wait3A] : memref<10240x128xf32, #tpu.memory_space<vmem_shared>> -> memref<128x128xf32, #tpu.memory_space<vmem_shared>>
      %dma_wait3A_45 = arith.constant 0 : i32
      %dma_wait3A_46 = tpu.memref_slice %arg10[%mul3A_12, %dma_wait3A_45] : memref<10240x128xf32, #tpu.memory_space<vmem_shared>> -> memref<128x128xf32, #tpu.memory_space<vmem_shared>>
      tpu.wait_dma2 semaphore(%run_scoped3A : memref<!tpu.dma_semaphore, #tpu.memory_space<semaphore_mem>>) src(%arg9 : memref<128x128xf32, #tpu.memory_space<vmem>>) dst(%dma_wait3A_46 : memref<128x128xf32, #tpu.memory_space<vmem_shared>>)
      tpu.yield
    }) : () -> ()
    %mul3A_13 = arith.constant 5 : i32
    %mul3A_14 = arith.muli %arg1, %mul3A_13 : i32
    %add3A_15 = arith.constant 2 : i32
    %add3A_16 = arith.addi %mul3A_14, %add3A_15 : i32
    %mul3A_17 = arith.constant 128 : i32
    %mul3A_18 = arith.muli %add3A_16, %mul3A_17 : i32
    "tpu.region"() ({
      %run_scoped3A = tpu.sem_alloc : memref<!tpu.dma_semaphore, #tpu.memory_space<semaphore_mem>>
      %dma_start3A = arith.constant 0 : i32
      %dma_start3A_41 = tpu.memref_slice %arg10[%mul3A_18, %dma_start3A] : memref<10240x128xf32, #tpu.memory_space<vmem_shared>> -> memref<128x128xf32, #tpu.memory_space<vmem_shared>>
      %dma_start3A_42 = arith.constant 0 : i32
      %dma_start3A_43 = tpu.memref_slice %arg10[%mul3A_18, %dma_start3A_42] : memref<10240x128xf32, #tpu.memory_space<vmem_shared>> -> memref<128x128xf32, #tpu.memory_space<vmem_shared>>
      tpu.enqueue_dma source(%arg9 : memref<128x128xf32, #tpu.memory_space<vmem>>) target(%dma_start3A_43 : memref<128x128xf32, #tpu.memory_space<vmem_shared>>) target_semaphore(%run_scoped3A : memref<!tpu.dma_semaphore, #tpu.memory_space<semaphore_mem>>)
      %dma_wait3A = arith.constant 0 : i32
      %dma_wait3A_44 = tpu.memref_slice %arg10[%mul3A_18, %dma_wait3A] : memref<10240x128xf32, #tpu.memory_space<vmem_shared>> -> memref<128x128xf32, #tpu.memory_space<vmem_shared>>
      %dma_wait3A_45 = arith.constant 0 : i32
      %dma_wait3A_46 = tpu.memref_slice %arg10[%mul3A_18, %dma_wait3A_45] : memref<10240x128xf32, #tpu.memory_space<vmem_shared>> -> memref<128x128xf32, #tpu.memory_space<vmem_shared>>
      tpu.wait_dma2 semaphore(%run_scoped3A : memref<!tpu.dma_semaphore, #tpu.memory_space<semaphore_mem>>) src(%arg9 : memref<128x128xf32, #tpu.memory_space<vmem>>) dst(%dma_wait3A_46 : memref<128x128xf32, #tpu.memory_space<vmem_shared>>)
      tpu.yield
    }) : () -> ()
    %mul3A_19 = arith.constant 5 : i32
    %mul3A_20 = arith.muli %arg1, %mul3A_19 : i32
    %add3A_21 = arith.constant 3 : i32
    %add3A_22 = arith.addi %mul3A_20, %add3A_21 : i32
    %mul3A_23 = arith.constant 128 : i32
    %mul3A_24 = arith.muli %add3A_22, %mul3A_23 : i32
    "tpu.region"() ({
      %run_scoped3A = tpu.sem_alloc : memref<!tpu.dma_semaphore, #tpu.memory_space<semaphore_mem>>
      %dma_start3A = arith.constant 0 : i32
      %dma_start3A_41 = tpu.memref_slice %arg10[%mul3A_24, %dma_start3A] : memref<10240x128xf32, #tpu.memory_space<vmem_shared>> -> memref<128x128xf32, #tpu.memory_space<vmem_shared>>
      %dma_start3A_42 = arith.constant 0 : i32
      %dma_start3A_43 = tpu.memref_slice %arg10[%mul3A_24, %dma_start3A_42] : memref<10240x128xf32, #tpu.memory_space<vmem_shared>> -> memref<128x128xf32, #tpu.memory_space<vmem_shared>>
      tpu.enqueue_dma source(%arg9 : memref<128x128xf32, #tpu.memory_space<vmem>>) target(%dma_start3A_43 : memref<128x128xf32, #tpu.memory_space<vmem_shared>>) target_semaphore(%run_scoped3A : memref<!tpu.dma_semaphore, #tpu.memory_space<semaphore_mem>>)
      %dma_wait3A = arith.constant 0 : i32
      %dma_wait3A_44 = tpu.memref_slice %arg10[%mul3A_24, %dma_wait3A] : memref<10240x128xf32, #tpu.memory_space<vmem_shared>> -> memref<128x128xf32, #tpu.memory_space<vmem_shared>>
      %dma_wait3A_45 = arith.constant 0 : i32
      %dma_wait3A_46 = tpu.memref_slice %arg10[%mul3A_24, %dma_wait3A_45] : memref<10240x128xf32, #tpu.memory_space<vmem_shared>> -> memref<128x128xf32, #tpu.memory_space<vmem_shared>>
      tpu.wait_dma2 semaphore(%run_scoped3A : memref<!tpu.dma_semaphore, #tpu.memory_space<semaphore_mem>>) src(%arg9 : memref<128x128xf32, #tpu.memory_space<vmem>>) dst(%dma_wait3A_46 : memref<128x128xf32, #tpu.memory_space<vmem_shared>>)
      tpu.yield
    }) : () -> ()
    %mul3A_25 = arith.constant 5 : i32
    %mul3A_26 = arith.muli %arg1, %mul3A_25 : i32
    %add3A_27 = arith.constant 4 : i32
    %add3A_28 = arith.addi %mul3A_26, %add3A_27 : i32
    %mul3A_29 = arith.constant 128 : i32
    %mul3A_30 = arith.muli %add3A_28, %mul3A_29 : i32
    "tpu.region"() ({
      %run_scoped3A = tpu.sem_alloc : memref<!tpu.dma_semaphore, #tpu.memory_space<semaphore_mem>>
      %dma_start3A = arith.constant 0 : i32
      %dma_start3A_41 = tpu.memref_slice %arg10[%mul3A_30, %dma_start3A] : memref<10240x128xf32, #tpu.memory_space<vmem_shared>> -> memref<128x128xf32, #tpu.memory_space<vmem_shared>>
      %dma_start3A_42 = arith.constant 0 : i32
      %dma_start3A_43 = tpu.memref_slice %arg10[%mul3A_30, %dma_start3A_42] : memref<10240x128xf32, #tpu.memory_space<vmem_shared>> -> memref<128x128xf32, #tpu.memory_space<vmem_shared>>
      tpu.enqueue_dma source(%arg9 : memref<128x128xf32, #tpu.memory_space<vmem>>) target(%dma_start3A_43 : memref<128x128xf32, #tpu.memory_space<vmem_shared>>) target_semaphore(%run_scoped3A : memref<!tpu.dma_semaphore, #tpu.memory_space<semaphore_mem>>)
      %dma_wait3A = arith.constant 0 : i32
      %dma_wait3A_44 = tpu.memref_slice %arg10[%mul3A_30, %dma_wait3A] : memref<10240x128xf32, #tpu.memory_space<vmem_shared>> -> memref<128x128xf32, #tpu.memory_space<vmem_shared>>
      %dma_wait3A_45 = arith.constant 0 : i32
      %dma_wait3A_46 = tpu.memref_slice %arg10[%mul3A_30, %dma_wait3A_45] : memref<10240x128xf32, #tpu.memory_space<vmem_shared>> -> memref<128x128xf32, #tpu.memory_space<vmem_shared>>
      tpu.wait_dma2 semaphore(%run_scoped3A : memref<!tpu.dma_semaphore, #tpu.memory_space<semaphore_mem>>) src(%arg9 : memref<128x128xf32, #tpu.memory_space<vmem>>) dst(%dma_wait3A_46 : memref<128x128xf32, #tpu.memory_space<vmem_shared>>)
      tpu.yield
    }) : () -> ()
    %barrier3A = arith.constant 0 : index
    tpu.barrier barrier_id(%barrier3A)
    %scan3A = arith.constant 0 : i32
    %scan3A_31 = arith.constant 0 : i32
    %scan3A_32 = arith.constant 79 : i32
    %scan3A_33 = arith.addi %scan3A_31, %scan3A_32 : i32
    %scan3A_34 = arith.constant 1 : i32
    scf.for %scan3A_41 = %scan3A_31 to %scan3A_33 step %scan3A_34  : i32 {
      "tpu.region"() ({
        %run_scoped3A = tpu.sem_alloc : memref<!tpu.dma_semaphore, #tpu.memory_space<semaphore_mem>>
        %dma_start3A = arith.constant 0 : i32
        %dma_start3A_42 = tpu.memref_slice %arg7[%scan3A_41, %dma_start3A] : memref<79x128xi32, #tpu.memory_space<vmem>> -> memref<1x128xi32, #tpu.memory_space<vmem>>
        %dma_start3A_43 = tpu.memref_squeeze %dma_start3A_42 : memref<1x128xi32, #tpu.memory_space<vmem>> -> memref<128xi32, #tpu.memory_space<vmem>>
        %dma_start3A_44 = arith.constant 0 : i32
        %dma_start3A_45 = arith.constant 0 : i32
        %dma_start3A_46 = tpu.memref_slice %arg2[%dma_start3A_44, %dma_start3A_45] : memref<10000x128xf32, #tpu.memory_space<hbm>> -> memref<10000x128xf32, #tpu.memory_space<hbm>>
        tpu.enqueue_indirect_dma source(%dma_start3A_46 : memref<10000x128xf32, #tpu.memory_space<hbm>>) target(%arg9 : memref<128x128xf32, #tpu.memory_space<vmem>>) offsets(%dma_start3A_43 : memref<128xi32, #tpu.memory_space<vmem>>) semaphore(%run_scoped3A : memref<!tpu.dma_semaphore, #tpu.memory_space<semaphore_mem>>)
        %dma_wait3A = arith.constant 0 : i32
        %dma_wait3A_47 = tpu.memref_slice %arg7[%scan3A_41, %dma_wait3A] : memref<79x128xi32, #tpu.memory_space<vmem>> -> memref<1x128xi32, #tpu.memory_space<vmem>>
        %dma_wait3A_48 = tpu.memref_squeeze %dma_wait3A_47 : memref<1x128xi32, #tpu.memory_space<vmem>> -> memref<128xi32, #tpu.memory_space<vmem>>
        %dma_wait3A_49 = arith.constant 0 : i32
        %dma_wait3A_50 = arith.constant 0 : i32
        %dma_wait3A_51 = tpu.memref_slice %arg2[%dma_wait3A_49, %dma_wait3A_50] : memref<10000x128xf32, #tpu.memory_space<hbm>> -> memref<10000x128xf32, #tpu.memory_space<hbm>>
        tpu.wait_indirect_dma semaphore(%run_scoped3A : memref<!tpu.dma_semaphore, #tpu.memory_space<semaphore_mem>>) src(%dma_wait3A_51 : memref<10000x128xf32, #tpu.memory_space<hbm>>) dst(%arg9 : memref<128x128xf32, #tpu.memory_space<vmem>>)
        tpu.yield
      }) : () -> ()
      "tpu.region"() ({
        %run_scoped3A = tpu.sem_alloc : memref<!tpu.dma_semaphore, #tpu.memory_space<semaphore_mem>>
        %dma_start3A = arith.constant 0 : i32
        %dma_start3A_42 = tpu.memref_slice %arg8[%scan3A_41, %dma_start3A] : memref<79x128xi32, #tpu.memory_space<vmem>> -> memref<1x128xi32, #tpu.memory_space<vmem>>
        %dma_start3A_43 = tpu.memref_squeeze %dma_start3A_42 : memref<1x128xi32, #tpu.memory_space<vmem>> -> memref<128xi32, #tpu.memory_space<vmem>>
        %dma_start3A_44 = arith.constant 0 : i32
        %dma_start3A_45 = arith.constant 0 : i32
        %dma_start3A_46 = tpu.memref_slice %arg10[%dma_start3A_44, %dma_start3A_45] : memref<10240x128xf32, #tpu.memory_space<vmem_shared>> -> memref<10240x128xf32, #tpu.memory_space<vmem_shared>>
        tpu.enqueue_indirect_dma source(%arg9 : memref<128x128xf32, #tpu.memory_space<vmem>>) target(%dma_start3A_46 : memref<10240x128xf32, #tpu.memory_space<vmem_shared>>) offsets(%dma_start3A_43 : memref<128xi32, #tpu.memory_space<vmem>>) semaphore(%run_scoped3A : memref<!tpu.dma_semaphore, #tpu.memory_space<semaphore_mem>>) {add = true}
        %dma_wait3A = arith.constant 0 : i32
        %dma_wait3A_47 = tpu.memref_slice %arg8[%scan3A_41, %dma_wait3A] : memref<79x128xi32, #tpu.memory_space<vmem>> -> memref<1x128xi32, #tpu.memory_space<vmem>>
        %dma_wait3A_48 = tpu.memref_squeeze %dma_wait3A_47 : memref<1x128xi32, #tpu.memory_space<vmem>> -> memref<128xi32, #tpu.memory_space<vmem>>
        %dma_wait3A_49 = arith.constant 0 : i32
        %dma_wait3A_50 = arith.constant 0 : i32
        %dma_wait3A_51 = tpu.memref_slice %arg10[%dma_wait3A_49, %dma_wait3A_50] : memref<10240x128xf32, #tpu.memory_space<vmem_shared>> -> memref<10240x128xf32, #tpu.memory_space<vmem_shared>>
        tpu.wait_indirect_dma semaphore(%run_scoped3A : memref<!tpu.dma_semaphore, #tpu.memory_space<semaphore_mem>>) src(%arg9 : memref<128x128xf32, #tpu.memory_space<vmem>>) dst(%dma_wait3A_51 : memref<10240x128xf32, #tpu.memory_space<vmem_shared>>)
        tpu.yield
      }) : () -> ()
    }
    %scan3A_35 = arith.constant 79 : i32
    %barrier3A_36 = arith.constant 0 : index
    tpu.barrier barrier_id(%barrier3A_36)
    %mul3A_37 = arith.constant 640 : i32
    %mul3A_38 = arith.muli %arg1, %mul3A_37 : i32
    %mul3A_39 = arith.constant 640 : i32
    %mul3A_40 = arith.muli %arg1, %mul3A_39 : i32
    "tpu.region"() ({
      %run_scoped3A = tpu.sem_alloc : memref<!tpu.dma_semaphore, #tpu.memory_space<semaphore_mem>>
      %dma_start3A = arith.constant 0 : i32
      %dma_start3A_41 = arith.constant 0 : i32
      %dma_start3A_42 = tpu.memref_slice %arg6[%arg0, %dma_start3A, %dma_start3A_41] : memref<2x10240x128xf32, #tpu.memory_space<hbm>> -> memref<1x10240x128xf32, #tpu.memory_space<hbm>>
      %dma_start3A_43 = tpu.memref_squeeze %dma_start3A_42 : memref<1x10240x128xf32, #tpu.memory_space<hbm>> -> memref<10240x128xf32, #tpu.memory_space<hbm>>
      %dma_start3A_44 = arith.constant 0 : i32
      %dma_start3A_45 = tpu.memref_slice %dma_start3A_43[%mul3A_40, %dma_start3A_44] : memref<10240x128xf32, #tpu.memory_space<hbm>> -> memref<640x128xf32, #tpu.memory_space<hbm>>
      %dma_start3A_46 = arith.constant 0 : i32
      %dma_start3A_47 = tpu.memref_slice %arg10[%mul3A_38, %dma_start3A_46] : memref<10240x128xf32, #tpu.memory_space<vmem_shared>> -> memref<640x128xf32, #tpu.memory_space<vmem_shared>>
      tpu.enqueue_dma source(%dma_start3A_47 : memref<640x128xf32, #tpu.memory_space<vmem_shared>>) target(%dma_start3A_45 : memref<640x128xf32, #tpu.memory_space<hbm>>) target_semaphore(%run_scoped3A : memref<!tpu.dma_semaphore, #tpu.memory_space<semaphore_mem>>)
      %dma_wait3A = arith.constant 0 : i32
      %dma_wait3A_48 = arith.constant 0 : i32
      %dma_wait3A_49 = tpu.memref_slice %arg6[%arg0, %dma_wait3A, %dma_wait3A_48] : memref<2x10240x128xf32, #tpu.memory_space<hbm>> -> memref<1x10240x128xf32, #tpu.memory_space<hbm>>
      %dma_wait3A_50 = tpu.memref_squeeze %dma_wait3A_49 : memref<1x10240x128xf32, #tpu.memory_space<hbm>> -> memref<10240x128xf32, #tpu.memory_space<hbm>>
      %dma_wait3A_51 = arith.constant 0 : i32
      %dma_wait3A_52 = tpu.memref_slice %dma_wait3A_50[%mul3A_40, %dma_wait3A_51] : memref<10240x128xf32, #tpu.memory_space<hbm>> -> memref<640x128xf32, #tpu.memory_space<hbm>>
      %dma_wait3A_53 = arith.constant 0 : i32
      %dma_wait3A_54 = tpu.memref_slice %arg10[%mul3A_38, %dma_wait3A_53] : memref<10240x128xf32, #tpu.memory_space<vmem_shared>> -> memref<640x128xf32, #tpu.memory_space<vmem_shared>>
      tpu.wait_dma2 semaphore(%run_scoped3A : memref<!tpu.dma_semaphore, #tpu.memory_space<semaphore_mem>>) src(%dma_wait3A_54 : memref<640x128xf32, #tpu.memory_space<vmem_shared>>) dst(%dma_wait3A_52 : memref<640x128xf32, #tpu.memory_space<hbm>>)
      tpu.yield
    }) : () -> ()
    return
  }
}

#map = affine_map<(d0, d1) -> (0, 0)>
#map1 = affine_map<(d0, d1) -> (0, 0, 0)>
module attributes {stable_mosaic.version = 14 : i64} {
  func.func @body(%arg0: i32, %arg1: i32, %arg2: memref<10000x128xf32, #tpu.memory_space<hbm>>, %arg3: memref<32x79x128xi32, #tpu.memory_space<hbm>>, %arg4: memref<32x79x128xi32, #tpu.memory_space<hbm>>, %arg5: memref<128x128xf32, #tpu.memory_space<hbm>>, %arg6: memref<2x10240x128xf32, #tpu.memory_space<hbm>>, %arg7: memref<79x128xi32, #tpu.memory_space<vmem>>, %arg8: memref<79x128xi32, #tpu.memory_space<vmem>>, %arg9: memref<128x128xf32, #tpu.memory_space<vmem>>, %arg10: memref<10240x128xf32, #tpu.memory_space<vmem_shared>>) attributes {dimension_semantics = [#tpu.dimension_semantics<core_parallel>, #tpu.dimension_semantics<subcore_parallel>], iteration_bounds = array<i64: 2, 16>, scalar_prefetch = 0 : i64, scratch_operands = 4 : i64, tpu.core_type = #tpu.core_type<sc_vector_subcore>, window_params = [{transform_indices = #map}, {transform_indices = #map1}, {transform_indices = #map1}, {transform_indices = #map}, {transform_indices = #map1}]} {
    %mul3A = arith.constant 16 : i32
    %mul3A_0 = arith.muli %arg0, %mul3A : i32
    %add3A = arith.addi %mul3A_0, %arg1 : i32
    "tpu.region"() ({
      %run_scoped3A = tpu.sem_alloc : memref<!tpu.dma_semaphore, #tpu.memory_space<semaphore_mem>>
      %dma_start3A = arith.constant 0 : i32
      %dma_start3A_41 = arith.constant 0 : i32
      %dma_start3A_42 = tpu.memref_slice %arg3[%add3A, %dma_start3A, %dma_start3A_41] : memref<32x79x128xi32, #tpu.memory_space<hbm>> -> memref<1x79x128xi32, #tpu.memory_space<hbm>>
      %dma_start3A_43 = tpu.memref_squeeze %dma_start3A_42 : memref<1x79x128xi32, #tpu.memory_space<hbm>> -> memref<79x128xi32, #tpu.memory_space<hbm>>
      %dma_start3A_44 = arith.constant 0 : i32
      %dma_start3A_45 = arith.constant 0 : i32
      %dma_start3A_46 = tpu.memref_slice %arg3[%add3A, %dma_start3A_44, %dma_start3A_45] : memref<32x79x128xi32, #tpu.memory_space<hbm>> -> memref<1x79x128xi32, #tpu.memory_space<hbm>>
      %dma_start3A_47 = tpu.memref_squeeze %dma_start3A_46 : memref<1x79x128xi32, #tpu.memory_space<hbm>> -> memref<79x128xi32, #tpu.memory_space<hbm>>
      tpu.enqueue_dma source(%dma_start3A_47 : memref<79x128xi32, #tpu.memory_space<hbm>>) target(%arg7 : memref<79x128xi32, #tpu.memory_space<vmem>>) target_semaphore(%run_scoped3A : memref<!tpu.dma_semaphore, #tpu.memory_space<semaphore_mem>>)
      %dma_wait3A = arith.constant 0 : i32
      %dma_wait3A_48 = arith.constant 0 : i32
      %dma_wait3A_49 = tpu.memref_slice %arg3[%add3A, %dma_wait3A, %dma_wait3A_48] : memref<32x79x128xi32, #tpu.memory_space<hbm>> -> memref<1x79x128xi32, #tpu.memory_space<hbm>>
      %dma_wait3A_50 = tpu.memref_squeeze %dma_wait3A_49 : memref<1x79x128xi32, #tpu.memory_space<hbm>> -> memref<79x128xi32, #tpu.memory_space<hbm>>
      %dma_wait3A_51 = arith.constant 0 : i32
      %dma_wait3A_52 = arith.constant 0 : i32
      %dma_wait3A_53 = tpu.memref_slice %arg3[%add3A, %dma_wait3A_51, %dma_wait3A_52] : memref<32x79x128xi32, #tpu.memory_space<hbm>> -> memref<1x79x128xi32, #tpu.memory_space<hbm>>
      %dma_wait3A_54 = tpu.memref_squeeze %dma_wait3A_53 : memref<1x79x128xi32, #tpu.memory_space<hbm>> -> memref<79x128xi32, #tpu.memory_space<hbm>>
      tpu.wait_dma2 semaphore(%run_scoped3A : memref<!tpu.dma_semaphore, #tpu.memory_space<semaphore_mem>>) src(%dma_wait3A_54 : memref<79x128xi32, #tpu.memory_space<hbm>>) dst(%arg7 : memref<79x128xi32, #tpu.memory_space<vmem>>)
      tpu.yield
    }) : () -> ()
    "tpu.region"() ({
      %run_scoped3A = tpu.sem_alloc : memref<!tpu.dma_semaphore, #tpu.memory_space<semaphore_mem>>
      %dma_start3A = arith.constant 0 : i32
      %dma_start3A_41 = arith.constant 0 : i32
      %dma_start3A_42 = tpu.memref_slice %arg4[%add3A, %dma_start3A, %dma_start3A_41] : memref<32x79x128xi32, #tpu.memory_space<hbm>> -> memref<1x79x128xi32, #tpu.memory_space<hbm>>
      %dma_start3A_43 = tpu.memref_squeeze %dma_start3A_42 : memref<1x79x128xi32, #tpu.memory_space<hbm>> -> memref<79x128xi32, #tpu.memory_space<hbm>>
      %dma_start3A_44 = arith.constant 0 : i32
      %dma_start3A_45 = arith.constant 0 : i32
      %dma_start3A_46 = tpu.memref_slice %arg4[%add3A, %dma_start3A_44, %dma_start3A_45] : memref<32x79x128xi32, #tpu.memory_space<hbm>> -> memref<1x79x128xi32, #tpu.memory_space<hbm>>
      %dma_start3A_47 = tpu.memref_squeeze %dma_start3A_46 : memref<1x79x128xi32, #tpu.memory_space<hbm>> -> memref<79x128xi32, #tpu.memory_space<hbm>>
      tpu.enqueue_dma source(%dma_start3A_47 : memref<79x128xi32, #tpu.memory_space<hbm>>) target(%arg8 : memref<79x128xi32, #tpu.memory_space<vmem>>) target_semaphore(%run_scoped3A : memref<!tpu.dma_semaphore, #tpu.memory_space<semaphore_mem>>)
      %dma_wait3A = arith.constant 0 : i32
      %dma_wait3A_48 = arith.constant 0 : i32
      %dma_wait3A_49 = tpu.memref_slice %arg4[%add3A, %dma_wait3A, %dma_wait3A_48] : memref<32x79x128xi32, #tpu.memory_space<hbm>> -> memref<1x79x128xi32, #tpu.memory_space<hbm>>
      %dma_wait3A_50 = tpu.memref_squeeze %dma_wait3A_49 : memref<1x79x128xi32, #tpu.memory_space<hbm>> -> memref<79x128xi32, #tpu.memory_space<hbm>>
      %dma_wait3A_51 = arith.constant 0 : i32
      %dma_wait3A_52 = arith.constant 0 : i32
      %dma_wait3A_53 = tpu.memref_slice %arg4[%add3A, %dma_wait3A_51, %dma_wait3A_52] : memref<32x79x128xi32, #tpu.memory_space<hbm>> -> memref<1x79x128xi32, #tpu.memory_space<hbm>>
      %dma_wait3A_54 = tpu.memref_squeeze %dma_wait3A_53 : memref<1x79x128xi32, #tpu.memory_space<hbm>> -> memref<79x128xi32, #tpu.memory_space<hbm>>
      tpu.wait_dma2 semaphore(%run_scoped3A : memref<!tpu.dma_semaphore, #tpu.memory_space<semaphore_mem>>) src(%dma_wait3A_54 : memref<79x128xi32, #tpu.memory_space<hbm>>) dst(%arg8 : memref<79x128xi32, #tpu.memory_space<vmem>>)
      tpu.yield
    }) : () -> ()
    "tpu.region"() ({
      %run_scoped3A = tpu.sem_alloc : memref<!tpu.dma_semaphore, #tpu.memory_space<semaphore_mem>>
      tpu.enqueue_dma source(%arg5 : memref<128x128xf32, #tpu.memory_space<hbm>>) target(%arg9 : memref<128x128xf32, #tpu.memory_space<vmem>>) target_semaphore(%run_scoped3A : memref<!tpu.dma_semaphore, #tpu.memory_space<semaphore_mem>>)
      tpu.wait_dma2 semaphore(%run_scoped3A : memref<!tpu.dma_semaphore, #tpu.memory_space<semaphore_mem>>) src(%arg5 : memref<128x128xf32, #tpu.memory_space<hbm>>) dst(%arg9 : memref<128x128xf32, #tpu.memory_space<vmem>>)
      tpu.yield
    }) : () -> ()
    %mul3A_1 = arith.constant 5 : i32
    %mul3A_2 = arith.muli %arg1, %mul3A_1 : i32
    %add3A_3 = arith.constant 0 : i32
    %add3A_4 = arith.addi %mul3A_2, %add3A_3 : i32
    %mul3A_5 = arith.constant 128 : i32
    %mul3A_6 = arith.muli %add3A_4, %mul3A_5 : i32
    "tpu.region"() ({
      %run_scoped3A = tpu.sem_alloc : memref<!tpu.dma_semaphore, #tpu.memory_space<semaphore_mem>>
      %dma_start3A = arith.constant 0 : i32
      %dma_start3A_41 = tpu.memref_slice %arg10[%mul3A_6, %dma_start3A] : memref<10240x128xf32, #tpu.memory_space<vmem_shared>> -> memref<128x128xf32, #tpu.memory_space<vmem_shared>>
      %dma_start3A_42 = arith.constant 0 : i32
      %dma_start3A_43 = tpu.memref_slice %arg10[%mul3A_6, %dma_start3A_42] : memref<10240x128xf32, #tpu.memory_space<vmem_shared>> -> memref<128x128xf32, #tpu.memory_space<vmem_shared>>
      tpu.enqueue_dma source(%arg9 : memref<128x128xf32, #tpu.memory_space<vmem>>) target(%dma_start3A_43 : memref<128x128xf32, #tpu.memory_space<vmem_shared>>) target_semaphore(%run_scoped3A : memref<!tpu.dma_semaphore, #tpu.memory_space<semaphore_mem>>)
      %dma_wait3A = arith.constant 0 : i32
      %dma_wait3A_44 = tpu.memref_slice %arg10[%mul3A_6, %dma_wait3A] : memref<10240x128xf32, #tpu.memory_space<vmem_shared>> -> memref<128x128xf32, #tpu.memory_space<vmem_shared>>
      %dma_wait3A_45 = arith.constant 0 : i32
      %dma_wait3A_46 = tpu.memref_slice %arg10[%mul3A_6, %dma_wait3A_45] : memref<10240x128xf32, #tpu.memory_space<vmem_shared>> -> memref<128x128xf32, #tpu.memory_space<vmem_shared>>
      tpu.wait_dma2 semaphore(%run_scoped3A : memref<!tpu.dma_semaphore, #tpu.memory_space<semaphore_mem>>) src(%arg9 : memref<128x128xf32, #tpu.memory_space<vmem>>) dst(%dma_wait3A_46 : memref<128x128xf32, #tpu.memory_space<vmem_shared>>)
      tpu.yield
    }) : () -> ()
    %mul3A_7 = arith.constant 5 : i32
    %mul3A_8 = arith.muli %arg1, %mul3A_7 : i32
    %add3A_9 = arith.constant 1 : i32
    %add3A_10 = arith.addi %mul3A_8, %add3A_9 : i32
    %mul3A_11 = arith.constant 128 : i32
    %mul3A_12 = arith.muli %add3A_10, %mul3A_11 : i32
    "tpu.region"() ({
      %run_scoped3A = tpu.sem_alloc : memref<!tpu.dma_semaphore, #tpu.memory_space<semaphore_mem>>
      %dma_start3A = arith.constant 0 : i32
      %dma_start3A_41 = tpu.memref_slice %arg10[%mul3A_12, %dma_start3A] : memref<10240x128xf32, #tpu.memory_space<vmem_shared>> -> memref<128x128xf32, #tpu.memory_space<vmem_shared>>
      %dma_start3A_42 = arith.constant 0 : i32
      %dma_start3A_43 = tpu.memref_slice %arg10[%mul3A_12, %dma_start3A_42] : memref<10240x128xf32, #tpu.memory_space<vmem_shared>> -> memref<128x128xf32, #tpu.memory_space<vmem_shared>>
      tpu.enqueue_dma source(%arg9 : memref<128x128xf32, #tpu.memory_space<vmem>>) target(%dma_start3A_43 : memref<128x128xf32, #tpu.memory_space<vmem_shared>>) target_semaphore(%run_scoped3A : memref<!tpu.dma_semaphore, #tpu.memory_space<semaphore_mem>>)
      %dma_wait3A = arith.constant 0 : i32
      %dma_wait3A_44 = tpu.memref_slice %arg10[%mul3A_12, %dma_wait3A] : memref<10240x128xf32, #tpu.memory_space<vmem_shared>> -> memref<128x128xf32, #tpu.memory_space<vmem_shared>>
      %dma_wait3A_45 = arith.constant 0 : i32
      %dma_wait3A_46 = tpu.memref_slice %arg10[%mul3A_12, %dma_wait3A_45] : memref<10240x128xf32, #tpu.memory_space<vmem_shared>> -> memref<128x128xf32, #tpu.memory_space<vmem_shared>>
      tpu.wait_dma2 semaphore(%run_scoped3A : memref<!tpu.dma_semaphore, #tpu.memory_space<semaphore_mem>>) src(%arg9 : memref<128x128xf32, #tpu.memory_space<vmem>>) dst(%dma_wait3A_46 : memref<128x128xf32, #tpu.memory_space<vmem_shared>>)
      tpu.yield
    }) : () -> ()
    %mul3A_13 = arith.constant 5 : i32
    %mul3A_14 = arith.muli %arg1, %mul3A_13 : i32
    %add3A_15 = arith.constant 2 : i32
    %add3A_16 = arith.addi %mul3A_14, %add3A_15 : i32
    %mul3A_17 = arith.constant 128 : i32
    %mul3A_18 = arith.muli %add3A_16, %mul3A_17 : i32
    "tpu.region"() ({
      %run_scoped3A = tpu.sem_alloc : memref<!tpu.dma_semaphore, #tpu.memory_space<semaphore_mem>>
      %dma_start3A = arith.constant 0 : i32
      %dma_start3A_41 = tpu.memref_slice %arg10[%mul3A_18, %dma_start3A] : memref<10240x128xf32, #tpu.memory_space<vmem_shared>> -> memref<128x128xf32, #tpu.memory_space<vmem_shared>>
      %dma_start3A_42 = arith.constant 0 : i32
      %dma_start3A_43 = tpu.memref_slice %arg10[%mul3A_18, %dma_start3A_42] : memref<10240x128xf32, #tpu.memory_space<vmem_shared>> -> memref<128x128xf32, #tpu.memory_space<vmem_shared>>
      tpu.enqueue_dma source(%arg9 : memref<128x128xf32, #tpu.memory_space<vmem>>) target(%dma_start3A_43 : memref<128x128xf32, #tpu.memory_space<vmem_shared>>) target_semaphore(%run_scoped3A : memref<!tpu.dma_semaphore, #tpu.memory_space<semaphore_mem>>)
      %dma_wait3A = arith.constant 0 : i32
      %dma_wait3A_44 = tpu.memref_slice %arg10[%mul3A_18, %dma_wait3A] : memref<10240x128xf32, #tpu.memory_space<vmem_shared>> -> memref<128x128xf32, #tpu.memory_space<vmem_shared>>
      %dma_wait3A_45 = arith.constant 0 : i32
      %dma_wait3A_46 = tpu.memref_slice %arg10[%mul3A_18, %dma_wait3A_45] : memref<10240x128xf32, #tpu.memory_space<vmem_shared>> -> memref<128x128xf32, #tpu.memory_space<vmem_shared>>
      tpu.wait_dma2 semaphore(%run_scoped3A : memref<!tpu.dma_semaphore, #tpu.memory_space<semaphore_mem>>) src(%arg9 : memref<128x128xf32, #tpu.memory_space<vmem>>) dst(%dma_wait3A_46 : memref<128x128xf32, #tpu.memory_space<vmem_shared>>)
      tpu.yield
    }) : () -> ()
    %mul3A_19 = arith.constant 5 : i32
    %mul3A_20 = arith.muli %arg1, %mul3A_19 : i32
    %add3A_21 = arith.constant 3 : i32
    %add3A_22 = arith.addi %mul3A_20, %add3A_21 : i32
    %mul3A_23 = arith.constant 128 : i32
    %mul3A_24 = arith.muli %add3A_22, %mul3A_23 : i32
    "tpu.region"() ({
      %run_scoped3A = tpu.sem_alloc : memref<!tpu.dma_semaphore, #tpu.memory_space<semaphore_mem>>
      %dma_start3A = arith.constant 0 : i32
      %dma_start3A_41 = tpu.memref_slice %arg10[%mul3A_24, %dma_start3A] : memref<10240x128xf32, #tpu.memory_space<vmem_shared>> -> memref<128x128xf32, #tpu.memory_space<vmem_shared>>
      %dma_start3A_42 = arith.constant 0 : i32
      %dma_start3A_43 = tpu.memref_slice %arg10[%mul3A_24, %dma_start3A_42] : memref<10240x128xf32, #tpu.memory_space<vmem_shared>> -> memref<128x128xf32, #tpu.memory_space<vmem_shared>>
      tpu.enqueue_dma source(%arg9 : memref<128x128xf32, #tpu.memory_space<vmem>>) target(%dma_start3A_43 : memref<128x128xf32, #tpu.memory_space<vmem_shared>>) target_semaphore(%run_scoped3A : memref<!tpu.dma_semaphore, #tpu.memory_space<semaphore_mem>>)
      %dma_wait3A = arith.constant 0 : i32
      %dma_wait3A_44 = tpu.memref_slice %arg10[%mul3A_24, %dma_wait3A] : memref<10240x128xf32, #tpu.memory_space<vmem_shared>> -> memref<128x128xf32, #tpu.memory_space<vmem_shared>>
      %dma_wait3A_45 = arith.constant 0 : i32
      %dma_wait3A_46 = tpu.memref_slice %arg10[%mul3A_24, %dma_wait3A_45] : memref<10240x128xf32, #tpu.memory_space<vmem_shared>> -> memref<128x128xf32, #tpu.memory_space<vmem_shared>>
      tpu.wait_dma2 semaphore(%run_scoped3A : memref<!tpu.dma_semaphore, #tpu.memory_space<semaphore_mem>>) src(%arg9 : memref<128x128xf32, #tpu.memory_space<vmem>>) dst(%dma_wait3A_46 : memref<128x128xf32, #tpu.memory_space<vmem_shared>>)
      tpu.yield
    }) : () -> ()
    %mul3A_25 = arith.constant 5 : i32
    %mul3A_26 = arith.muli %arg1, %mul3A_25 : i32
    %add3A_27 = arith.constant 4 : i32
    %add3A_28 = arith.addi %mul3A_26, %add3A_27 : i32
    %mul3A_29 = arith.constant 128 : i32
    %mul3A_30 = arith.muli %add3A_28, %mul3A_29 : i32
    "tpu.region"() ({
      %run_scoped3A = tpu.sem_alloc : memref<!tpu.dma_semaphore, #tpu.memory_space<semaphore_mem>>
      %dma_start3A = arith.constant 0 : i32
      %dma_start3A_41 = tpu.memref_slice %arg10[%mul3A_30, %dma_start3A] : memref<10240x128xf32, #tpu.memory_space<vmem_shared>> -> memref<128x128xf32, #tpu.memory_space<vmem_shared>>
      %dma_start3A_42 = arith.constant 0 : i32
      %dma_start3A_43 = tpu.memref_slice %arg10[%mul3A_30, %dma_start3A_42] : memref<10240x128xf32, #tpu.memory_space<vmem_shared>> -> memref<128x128xf32, #tpu.memory_space<vmem_shared>>
      tpu.enqueue_dma source(%arg9 : memref<128x128xf32, #tpu.memory_space<vmem>>) target(%dma_start3A_43 : memref<128x128xf32, #tpu.memory_space<vmem_shared>>) target_semaphore(%run_scoped3A : memref<!tpu.dma_semaphore, #tpu.memory_space<semaphore_mem>>)
      %dma_wait3A = arith.constant 0 : i32
      %dma_wait3A_44 = tpu.memref_slice %arg10[%mul3A_30, %dma_wait3A] : memref<10240x128xf32, #tpu.memory_space<vmem_shared>> -> memref<128x128xf32, #tpu.memory_space<vmem_shared>>
      %dma_wait3A_45 = arith.constant 0 : i32
      %dma_wait3A_46 = tpu.memref_slice %arg10[%mul3A_30, %dma_wait3A_45] : memref<10240x128xf32, #tpu.memory_space<vmem_shared>> -> memref<128x128xf32, #tpu.memory_space<vmem_shared>>
      tpu.wait_dma2 semaphore(%run_scoped3A : memref<!tpu.dma_semaphore, #tpu.memory_space<semaphore_mem>>) src(%arg9 : memref<128x128xf32, #tpu.memory_space<vmem>>) dst(%dma_wait3A_46 : memref<128x128xf32, #tpu.memory_space<vmem_shared>>)
      tpu.yield
    }) : () -> ()
    %barrier3A = arith.constant 0 : index
    tpu.barrier barrier_id(%barrier3A)
    %scan3A = arith.constant 0 : i32
    %scan3A_31 = arith.constant 0 : i32
    %scan3A_32 = arith.constant 79 : i32
    %scan3A_33 = arith.addi %scan3A_31, %scan3A_32 : i32
    %scan3A_34 = arith.constant 1 : i32
    scf.for %scan3A_41 = %scan3A_31 to %scan3A_33 step %scan3A_34  : i32 {
      "tpu.region"() ({
        %run_scoped3A = tpu.sem_alloc : memref<!tpu.dma_semaphore, #tpu.memory_space<semaphore_mem>>
        %dma_start3A = arith.constant 0 : i32
        %dma_start3A_42 = tpu.memref_slice %arg7[%scan3A_41, %dma_start3A] : memref<79x128xi32, #tpu.memory_space<vmem>> -> memref<1x128xi32, #tpu.memory_space<vmem>>
        %dma_start3A_43 = tpu.memref_squeeze %dma_start3A_42 : memref<1x128xi32, #tpu.memory_space<vmem>> -> memref<128xi32, #tpu.memory_space<vmem>>
        %dma_start3A_44 = arith.constant 0 : i32
        %dma_start3A_45 = arith.constant 0 : i32
        %dma_start3A_46 = tpu.memref_slice %arg2[%dma_start3A_44, %dma_start3A_45] : memref<10000x128xf32, #tpu.memory_space<hbm>> -> memref<10000x128xf32, #tpu.memory_space<hbm>>
        tpu.enqueue_indirect_dma source(%dma_start3A_46 : memref<10000x128xf32, #tpu.memory_space<hbm>>) target(%arg9 : memref<128x128xf32, #tpu.memory_space<vmem>>) offsets(%dma_start3A_43 : memref<128xi32, #tpu.memory_space<vmem>>) semaphore(%run_scoped3A : memref<!tpu.dma_semaphore, #tpu.memory_space<semaphore_mem>>)
        %dma_wait3A = arith.constant 0 : i32
        %dma_wait3A_47 = tpu.memref_slice %arg7[%scan3A_41, %dma_wait3A] : memref<79x128xi32, #tpu.memory_space<vmem>> -> memref<1x128xi32, #tpu.memory_space<vmem>>
        %dma_wait3A_48 = tpu.memref_squeeze %dma_wait3A_47 : memref<1x128xi32, #tpu.memory_space<vmem>> -> memref<128xi32, #tpu.memory_space<vmem>>
        %dma_wait3A_49 = arith.constant 0 : i32
        %dma_wait3A_50 = arith.constant 0 : i32
        %dma_wait3A_51 = tpu.memref_slice %arg2[%dma_wait3A_49, %dma_wait3A_50] : memref<10000x128xf32, #tpu.memory_space<hbm>> -> memref<10000x128xf32, #tpu.memory_space<hbm>>
        tpu.wait_indirect_dma semaphore(%run_scoped3A : memref<!tpu.dma_semaphore, #tpu.memory_space<semaphore_mem>>) src(%dma_wait3A_51 : memref<10000x128xf32, #tpu.memory_space<hbm>>) dst(%arg9 : memref<128x128xf32, #tpu.memory_space<vmem>>)
        tpu.yield
      }) : () -> ()
      "tpu.region"() ({
        %run_scoped3A = tpu.sem_alloc : memref<!tpu.dma_semaphore, #tpu.memory_space<semaphore_mem>>
        %dma_start3A = arith.constant 0 : i32
        %dma_start3A_42 = tpu.memref_slice %arg8[%scan3A_41, %dma_start3A] : memref<79x128xi32, #tpu.memory_space<vmem>> -> memref<1x128xi32, #tpu.memory_space<vmem>>
        %dma_start3A_43 = tpu.memref_squeeze %dma_start3A_42 : memref<1x128xi32, #tpu.memory_space<vmem>> -> memref<128xi32, #tpu.memory_space<vmem>>
        %dma_start3A_44 = arith.constant 0 : i32
        %dma_start3A_45 = arith.constant 0 : i32
        %dma_start3A_46 = tpu.memref_slice %arg10[%dma_start3A_44, %dma_start3A_45] : memref<10240x128xf32, #tpu.memory_space<vmem_shared>> -> memref<10240x128xf32, #tpu.memory_space<vmem_shared>>
        tpu.enqueue_indirect_dma source(%arg9 : memref<128x128xf32, #tpu.memory_space<vmem>>) target(%dma_start3A_46 : memref<10240x128xf32, #tpu.memory_space<vmem_shared>>) offsets(%dma_start3A_43 : memref<128xi32, #tpu.memory_space<vmem>>) semaphore(%run_scoped3A : memref<!tpu.dma_semaphore, #tpu.memory_space<semaphore_mem>>) {add = true}
        %dma_wait3A = arith.constant 0 : i32
        %dma_wait3A_47 = tpu.memref_slice %arg8[%scan3A_41, %dma_wait3A] : memref<79x128xi32, #tpu.memory_space<vmem>> -> memref<1x128xi32, #tpu.memory_space<vmem>>
        %dma_wait3A_48 = tpu.memref_squeeze %dma_wait3A_47 : memref<1x128xi32, #tpu.memory_space<vmem>> -> memref<128xi32, #tpu.memory_space<vmem>>
        %dma_wait3A_49 = arith.constant 0 : i32
        %dma_wait3A_50 = arith.constant 0 : i32
        %dma_wait3A_51 = tpu.memref_slice %arg10[%dma_wait3A_49, %dma_wait3A_50] : memref<10240x128xf32, #tpu.memory_space<vmem_shared>> -> memref<10240x128xf32, #tpu.memory_space<vmem_shared>>
        tpu.wait_indirect_dma semaphore(%run_scoped3A : memref<!tpu.dma_semaphore, #tpu.memory_space<semaphore_mem>>) src(%arg9 : memref<128x128xf32, #tpu.memory_space<vmem>>) dst(%dma_wait3A_51 : memref<10240x128xf32, #tpu.memory_space<vmem_shared>>)
        tpu.yield
      }) : () -> ()
    }
    %scan3A_35 = arith.constant 79 : i32
    %barrier3A_36 = arith.constant 0 : index
    tpu.barrier barrier_id(%barrier3A_36)
    %mul3A_37 = arith.constant 640 : i32
    %mul3A_38 = arith.muli %arg1, %mul3A_37 : i32
    %mul3A_39 = arith.constant 640 : i32
    %mul3A_40 = arith.muli %arg1, %mul3A_39 : i32
    "tpu.region"() ({
      %run_scoped3A = tpu.sem_alloc : memref<!tpu.dma_semaphore, #tpu.memory_space<semaphore_mem>>
      %dma_start3A = arith.constant 0 : i32
      %dma_start3A_41 = arith.constant 0 : i32
      %dma_start3A_42 = tpu.memref_slice %arg6[%arg0, %dma_start3A, %dma_start3A_41] : memref<2x10240x128xf32, #tpu.memory_space<hbm>> -> memref<1x10240x128xf32, #tpu.memory_space<hbm>>
      %dma_start3A_43 = tpu.memref_squeeze %dma_start3A_42 : memref<1x10240x128xf32, #tpu.memory_space<hbm>> -> memref<10240x128xf32, #tpu.memory_space<hbm>>
      %dma_start3A_44 = arith.constant 0 : i32
      %dma_start3A_45 = tpu.memref_slice %dma_start3A_43[%mul3A_40, %dma_start3A_44] : memref<10240x128xf32, #tpu.memory_space<hbm>> -> memref<640x128xf32, #tpu.memory_space<hbm>>
      %dma_start3A_46 = arith.constant 0 : i32
      %dma_start3A_47 = tpu.memref_slice %arg10[%mul3A_38, %dma_start3A_46] : memref<10240x128xf32, #tpu.memory_space<vmem_shared>> -> memref<640x128xf32, #tpu.memory_space<vmem_shared>>
      tpu.enqueue_dma source(%dma_start3A_47 : memref<640x128xf32, #tpu.memory_space<vmem_shared>>) target(%dma_start3A_45 : memref<640x128xf32, #tpu.memory_space<hbm>>) target_semaphore(%run_scoped3A : memref<!tpu.dma_semaphore, #tpu.memory_space<semaphore_mem>>)
      %dma_wait3A = arith.constant 0 : i32
      %dma_wait3A_48 = arith.constant 0 : i32
      %dma_wait3A_49 = tpu.memref_slice %arg6[%arg0, %dma_wait3A, %dma_wait3A_48] : memref<2x10240x128xf32, #tpu.memory_space<hbm>> -> memref<1x10240x128xf32, #tpu.memory_space<hbm>>
      %dma_wait3A_50 = tpu.memref_squeeze %dma_wait3A_49 : memref<1x10240x128xf32, #tpu.memory_space<hbm>> -> memref<10240x128xf32, #tpu.memory_space<hbm>>
      %dma_wait3A_51 = arith.constant 0 : i32
      %dma_wait3A_52 = tpu.memref_slice %dma_wait3A_50[%mul3A_40, %dma_wait3A_51] : memref<10240x128xf32, #tpu.memory_space<hbm>> -> memref<640x128xf32, #tpu.memory_space<hbm>>
      %dma_wait3A_53 = arith.constant 0 : i32
      %dma_wait3A_54 = tpu.memref_slice %arg10[%mul3A_38, %dma_wait3A_53] : memref<10240x128xf32, #tpu.memory_space<vmem_shared>> -> memref<640x128xf32, #tpu.memory_space<vmem_shared>>
      tpu.wait_dma2 semaphore(%run_scoped3A : memref<!tpu.dma_semaphore, #tpu.memory_space<semaphore_mem>>) src(%dma_wait3A_54 : memref<640x128xf32, #tpu.memory_space<vmem_shared>>) dst(%dma_wait3A_52 : memref<640x128xf32, #tpu.memory_space<hbm>>)
      tpu.yield
    }) : () -> ()
    return
  }
}

#map = affine_map<(d0, d1) -> (0, 0, 0)>
module attributes {stable_mosaic.version = 14 : i64} {
  func.func @body(%arg0: i32, %arg1: i32, %arg2: memref<32x79x128xi32, #tpu.memory_space<hbm>>, %arg3: memref<2x128x128xf32, #tpu.memory_space<hbm>>, %arg4: memref<2x10240x128xf32, #tpu.memory_space<hbm>>, %arg5: memref<79x128xi32, #tpu.memory_space<vmem>>, %arg6: memref<2x128x128xf32, #tpu.memory_space<vmem>>, %arg7: memref<10240x128xf32, #tpu.memory_space<vmem_shared>>) attributes {dimension_semantics = [#tpu.dimension_semantics<core_parallel>, #tpu.dimension_semantics<subcore_parallel>], iteration_bounds = array<i64: 2, 16>, scalar_prefetch = 0 : i64, scratch_operands = 3 : i64, tpu.core_type = #tpu.core_type<sc_vector_subcore>, window_params = [{transform_indices = #map}, {transform_indices = #map}, {transform_indices = #map}]} {
    %mul3A = arith.constant 16 : i32
    %mul3A_0 = arith.muli %arg0, %mul3A : i32
    %add3A = arith.addi %mul3A_0, %arg1 : i32
    "tpu.region"() ({
      %run_scoped3A_45 = tpu.sem_alloc : memref<!tpu.dma_semaphore, #tpu.memory_space<semaphore_mem>>
      %dma_start3A = arith.constant 0 : i32
      %dma_start3A_46 = arith.constant 0 : i32
      %dma_start3A_47 = tpu.memref_slice %arg2[%add3A, %dma_start3A, %dma_start3A_46] : memref<32x79x128xi32, #tpu.memory_space<hbm>> -> memref<1x79x128xi32, #tpu.memory_space<hbm>>
      %dma_start3A_48 = tpu.memref_squeeze %dma_start3A_47 : memref<1x79x128xi32, #tpu.memory_space<hbm>> -> memref<79x128xi32, #tpu.memory_space<hbm>>
      %dma_start3A_49 = arith.constant 0 : i32
      %dma_start3A_50 = arith.constant 0 : i32
      %dma_start3A_51 = tpu.memref_slice %arg2[%add3A, %dma_start3A_49, %dma_start3A_50] : memref<32x79x128xi32, #tpu.memory_space<hbm>> -> memref<1x79x128xi32, #tpu.memory_space<hbm>>
      %dma_start3A_52 = tpu.memref_squeeze %dma_start3A_51 : memref<1x79x128xi32, #tpu.memory_space<hbm>> -> memref<79x128xi32, #tpu.memory_space<hbm>>
      tpu.enqueue_dma source(%dma_start3A_52 : memref<79x128xi32, #tpu.memory_space<hbm>>) target(%arg5 : memref<79x128xi32, #tpu.memory_space<vmem>>) target_semaphore(%run_scoped3A_45 : memref<!tpu.dma_semaphore, #tpu.memory_space<semaphore_mem>>)
      %dma_wait3A = arith.constant 0 : i32
      %dma_wait3A_53 = arith.constant 0 : i32
      %dma_wait3A_54 = tpu.memref_slice %arg2[%add3A, %dma_wait3A, %dma_wait3A_53] : memref<32x79x128xi32, #tpu.memory_space<hbm>> -> memref<1x79x128xi32, #tpu.memory_space<hbm>>
      %dma_wait3A_55 = tpu.memref_squeeze %dma_wait3A_54 : memref<1x79x128xi32, #tpu.memory_space<hbm>> -> memref<79x128xi32, #tpu.memory_space<hbm>>
      %dma_wait3A_56 = arith.constant 0 : i32
      %dma_wait3A_57 = arith.constant 0 : i32
      %dma_wait3A_58 = tpu.memref_slice %arg2[%add3A, %dma_wait3A_56, %dma_wait3A_57] : memref<32x79x128xi32, #tpu.memory_space<hbm>> -> memref<1x79x128xi32, #tpu.memory_space<hbm>>
      %dma_wait3A_59 = tpu.memref_squeeze %dma_wait3A_58 : memref<1x79x128xi32, #tpu.memory_space<hbm>> -> memref<79x128xi32, #tpu.memory_space<hbm>>
      tpu.wait_dma2 semaphore(%run_scoped3A_45 : memref<!tpu.dma_semaphore, #tpu.memory_space<semaphore_mem>>) src(%dma_wait3A_59 : memref<79x128xi32, #tpu.memory_space<hbm>>) dst(%arg5 : memref<79x128xi32, #tpu.memory_space<vmem>>)
      tpu.yield
    }) : () -> ()
    "tpu.region"() ({
      %run_scoped3A_45 = tpu.sem_alloc : memref<!tpu.dma_semaphore, #tpu.memory_space<semaphore_mem>>
      tpu.enqueue_dma source(%arg3 : memref<2x128x128xf32, #tpu.memory_space<hbm>>) target(%arg6 : memref<2x128x128xf32, #tpu.memory_space<vmem>>) target_semaphore(%run_scoped3A_45 : memref<!tpu.dma_semaphore, #tpu.memory_space<semaphore_mem>>)
      tpu.wait_dma2 semaphore(%run_scoped3A_45 : memref<!tpu.dma_semaphore, #tpu.memory_space<semaphore_mem>>) src(%arg3 : memref<2x128x128xf32, #tpu.memory_space<hbm>>) dst(%arg6 : memref<2x128x128xf32, #tpu.memory_space<vmem>>)
      tpu.yield
    }) : () -> ()
    %mul3A_1 = arith.constant 5 : i32
    %mul3A_2 = arith.muli %arg1, %mul3A_1 : i32
    %add3A_3 = arith.constant 0 : i32
    %add3A_4 = arith.addi %mul3A_2, %add3A_3 : i32
    %mul3A_5 = arith.constant 128 : i32
    %mul3A_6 = arith.muli %add3A_4, %mul3A_5 : i32
    %run_scoped3A = arith.constant 0 : i32
    "tpu.region"() ({
      %run_scoped3A_45 = tpu.sem_alloc : memref<!tpu.dma_semaphore, #tpu.memory_space<semaphore_mem>>
      %dma_start3A = arith.constant 0 : i32
      %dma_start3A_46 = arith.constant 0 : i32
      %dma_start3A_47 = tpu.memref_slice %arg6[%run_scoped3A, %dma_start3A, %dma_start3A_46] : memref<2x128x128xf32, #tpu.memory_space<vmem>> -> memref<1x128x128xf32, #tpu.memory_space<vmem>>
      %dma_start3A_48 = tpu.memref_squeeze %dma_start3A_47 : memref<1x128x128xf32, #tpu.memory_space<vmem>> -> memref<128x128xf32, #tpu.memory_space<vmem>>
      %dma_start3A_49 = arith.constant 0 : i32
      %dma_start3A_50 = tpu.memref_slice %arg7[%mul3A_6, %dma_start3A_49] : memref<10240x128xf32, #tpu.memory_space<vmem_shared>> -> memref<128x128xf32, #tpu.memory_space<vmem_shared>>
      %dma_start3A_51 = arith.constant 0 : i32
      %dma_start3A_52 = tpu.memref_slice %arg7[%mul3A_6, %dma_start3A_51] : memref<10240x128xf32, #tpu.memory_space<vmem_shared>> -> memref<128x128xf32, #tpu.memory_space<vmem_shared>>
      %dma_start3A_53 = arith.constant 0 : i32
      %dma_start3A_54 = arith.constant 0 : i32
      %dma_start3A_55 = tpu.memref_slice %arg6[%run_scoped3A, %dma_start3A_53, %dma_start3A_54] : memref<2x128x128xf32, #tpu.memory_space<vmem>> -> memref<1x128x128xf32, #tpu.memory_space<vmem>>
      %dma_start3A_56 = tpu.memref_squeeze %dma_start3A_55 : memref<1x128x128xf32, #tpu.memory_space<vmem>> -> memref<128x128xf32, #tpu.memory_space<vmem>>
      tpu.enqueue_dma source(%dma_start3A_56 : memref<128x128xf32, #tpu.memory_space<vmem>>) target(%dma_start3A_52 : memref<128x128xf32, #tpu.memory_space<vmem_shared>>) target_semaphore(%run_scoped3A_45 : memref<!tpu.dma_semaphore, #tpu.memory_space<semaphore_mem>>)
      %dma_wait3A = arith.constant 0 : i32
      %dma_wait3A_57 = arith.constant 0 : i32
      %dma_wait3A_58 = tpu.memref_slice %arg6[%run_scoped3A, %dma_wait3A, %dma_wait3A_57] : memref<2x128x128xf32, #tpu.memory_space<vmem>> -> memref<1x128x128xf32, #tpu.memory_space<vmem>>
      %dma_wait3A_59 = tpu.memref_squeeze %dma_wait3A_58 : memref<1x128x128xf32, #tpu.memory_space<vmem>> -> memref<128x128xf32, #tpu.memory_space<vmem>>
      %dma_wait3A_60 = arith.constant 0 : i32
      %dma_wait3A_61 = tpu.memref_slice %arg7[%mul3A_6, %dma_wait3A_60] : memref<10240x128xf32, #tpu.memory_space<vmem_shared>> -> memref<128x128xf32, #tpu.memory_space<vmem_shared>>
      %dma_wait3A_62 = arith.constant 0 : i32
      %dma_wait3A_63 = tpu.memref_slice %arg7[%mul3A_6, %dma_wait3A_62] : memref<10240x128xf32, #tpu.memory_space<vmem_shared>> -> memref<128x128xf32, #tpu.memory_space<vmem_shared>>
      %dma_wait3A_64 = arith.constant 0 : i32
      %dma_wait3A_65 = arith.constant 0 : i32
      %dma_wait3A_66 = tpu.memref_slice %arg6[%run_scoped3A, %dma_wait3A_64, %dma_wait3A_65] : memref<2x128x128xf32, #tpu.memory_space<vmem>> -> memref<1x128x128xf32, #tpu.memory_space<vmem>>
      %dma_wait3A_67 = tpu.memref_squeeze %dma_wait3A_66 : memref<1x128x128xf32, #tpu.memory_space<vmem>> -> memref<128x128xf32, #tpu.memory_space<vmem>>
      tpu.wait_dma2 semaphore(%run_scoped3A_45 : memref<!tpu.dma_semaphore, #tpu.memory_space<semaphore_mem>>) src(%dma_wait3A_67 : memref<128x128xf32, #tpu.memory_space<vmem>>) dst(%dma_wait3A_63 : memref<128x128xf32, #tpu.memory_space<vmem_shared>>)
      tpu.yield
    }) : () -> ()
    %mul3A_7 = arith.constant 5 : i32
    %mul3A_8 = arith.muli %arg1, %mul3A_7 : i32
    %add3A_9 = arith.constant 1 : i32
    %add3A_10 = arith.addi %mul3A_8, %add3A_9 : i32
    %mul3A_11 = arith.constant 128 : i32
    %mul3A_12 = arith.muli %add3A_10, %mul3A_11 : i32
    %run_scoped3A_13 = arith.constant 0 : i32
    "tpu.region"() ({
      %run_scoped3A_45 = tpu.sem_alloc : memref<!tpu.dma_semaphore, #tpu.memory_space<semaphore_mem>>
      %dma_start3A = arith.constant 0 : i32
      %dma_start3A_46 = arith.constant 0 : i32
      %dma_start3A_47 = tpu.memref_slice %arg6[%run_scoped3A_13, %dma_start3A, %dma_start3A_46] : memref<2x128x128xf32, #tpu.memory_space<vmem>> -> memref<1x128x128xf32, #tpu.memory_space<vmem>>
      %dma_start3A_48 = tpu.memref_squeeze %dma_start3A_47 : memref<1x128x128xf32, #tpu.memory_space<vmem>> -> memref<128x128xf32, #tpu.memory_space<vmem>>
      %dma_start3A_49 = arith.constant 0 : i32
      %dma_start3A_50 = tpu.memref_slice %arg7[%mul3A_12, %dma_start3A_49] : memref<10240x128xf32, #tpu.memory_space<vmem_shared>> -> memref<128x128xf32, #tpu.memory_space<vmem_shared>>
      %dma_start3A_51 = arith.constant 0 : i32
      %dma_start3A_52 = tpu.memref_slice %arg7[%mul3A_12, %dma_start3A_51] : memref<10240x128xf32, #tpu.memory_space<vmem_shared>> -> memref<128x128xf32, #tpu.memory_space<vmem_shared>>
      %dma_start3A_53 = arith.constant 0 : i32
      %dma_start3A_54 = arith.constant 0 : i32
      %dma_start3A_55 = tpu.memref_slice %arg6[%run_scoped3A_13, %dma_start3A_53, %dma_start3A_54] : memref<2x128x128xf32, #tpu.memory_space<vmem>> -> memref<1x128x128xf32, #tpu.memory_space<vmem>>
      %dma_start3A_56 = tpu.memref_squeeze %dma_start3A_55 : memref<1x128x128xf32, #tpu.memory_space<vmem>> -> memref<128x128xf32, #tpu.memory_space<vmem>>
      tpu.enqueue_dma source(%dma_start3A_56 : memref<128x128xf32, #tpu.memory_space<vmem>>) target(%dma_start3A_52 : memref<128x128xf32, #tpu.memory_space<vmem_shared>>) target_semaphore(%run_scoped3A_45 : memref<!tpu.dma_semaphore, #tpu.memory_space<semaphore_mem>>)
      %dma_wait3A = arith.constant 0 : i32
      %dma_wait3A_57 = arith.constant 0 : i32
      %dma_wait3A_58 = tpu.memref_slice %arg6[%run_scoped3A_13, %dma_wait3A, %dma_wait3A_57] : memref<2x128x128xf32, #tpu.memory_space<vmem>> -> memref<1x128x128xf32, #tpu.memory_space<vmem>>
      %dma_wait3A_59 = tpu.memref_squeeze %dma_wait3A_58 : memref<1x128x128xf32, #tpu.memory_space<vmem>> -> memref<128x128xf32, #tpu.memory_space<vmem>>
      %dma_wait3A_60 = arith.constant 0 : i32
      %dma_wait3A_61 = tpu.memref_slice %arg7[%mul3A_12, %dma_wait3A_60] : memref<10240x128xf32, #tpu.memory_space<vmem_shared>> -> memref<128x128xf32, #tpu.memory_space<vmem_shared>>
      %dma_wait3A_62 = arith.constant 0 : i32
      %dma_wait3A_63 = tpu.memref_slice %arg7[%mul3A_12, %dma_wait3A_62] : memref<10240x128xf32, #tpu.memory_space<vmem_shared>> -> memref<128x128xf32, #tpu.memory_space<vmem_shared>>
      %dma_wait3A_64 = arith.constant 0 : i32
      %dma_wait3A_65 = arith.constant 0 : i32
      %dma_wait3A_66 = tpu.memref_slice %arg6[%run_scoped3A_13, %dma_wait3A_64, %dma_wait3A_65] : memref<2x128x128xf32, #tpu.memory_space<vmem>> -> memref<1x128x128xf32, #tpu.memory_space<vmem>>
      %dma_wait3A_67 = tpu.memref_squeeze %dma_wait3A_66 : memref<1x128x128xf32, #tpu.memory_space<vmem>> -> memref<128x128xf32, #tpu.memory_space<vmem>>
      tpu.wait_dma2 semaphore(%run_scoped3A_45 : memref<!tpu.dma_semaphore, #tpu.memory_space<semaphore_mem>>) src(%dma_wait3A_67 : memref<128x128xf32, #tpu.memory_space<vmem>>) dst(%dma_wait3A_63 : memref<128x128xf32, #tpu.memory_space<vmem_shared>>)
      tpu.yield
    }) : () -> ()
    %mul3A_14 = arith.constant 5 : i32
    %mul3A_15 = arith.muli %arg1, %mul3A_14 : i32
    %add3A_16 = arith.constant 2 : i32
    %add3A_17 = arith.addi %mul3A_15, %add3A_16 : i32
    %mul3A_18 = arith.constant 128 : i32
    %mul3A_19 = arith.muli %add3A_17, %mul3A_18 : i32
    %run_scoped3A_20 = arith.constant 0 : i32
    "tpu.region"() ({
      %run_scoped3A_45 = tpu.sem_alloc : memref<!tpu.dma_semaphore, #tpu.memory_space<semaphore_mem>>
      %dma_start3A = arith.constant 0 : i32
      %dma_start3A_46 = arith.constant 0 : i32
      %dma_start3A_47 = tpu.memref_slice %arg6[%run_scoped3A_20, %dma_start3A, %dma_start3A_46] : memref<2x128x128xf32, #tpu.memory_space<vmem>> -> memref<1x128x128xf32, #tpu.memory_space<vmem>>
      %dma_start3A_48 = tpu.memref_squeeze %dma_start3A_47 : memref<1x128x128xf32, #tpu.memory_space<vmem>> -> memref<128x128xf32, #tpu.memory_space<vmem>>
      %dma_start3A_49 = arith.constant 0 : i32
      %dma_start3A_50 = tpu.memref_slice %arg7[%mul3A_19, %dma_start3A_49] : memref<10240x128xf32, #tpu.memory_space<vmem_shared>> -> memref<128x128xf32, #tpu.memory_space<vmem_shared>>
      %dma_start3A_51 = arith.constant 0 : i32
      %dma_start3A_52 = tpu.memref_slice %arg7[%mul3A_19, %dma_start3A_51] : memref<10240x128xf32, #tpu.memory_space<vmem_shared>> -> memref<128x128xf32, #tpu.memory_space<vmem_shared>>
      %dma_start3A_53 = arith.constant 0 : i32
      %dma_start3A_54 = arith.constant 0 : i32
      %dma_start3A_55 = tpu.memref_slice %arg6[%run_scoped3A_20, %dma_start3A_53, %dma_start3A_54] : memref<2x128x128xf32, #tpu.memory_space<vmem>> -> memref<1x128x128xf32, #tpu.memory_space<vmem>>
      %dma_start3A_56 = tpu.memref_squeeze %dma_start3A_55 : memref<1x128x128xf32, #tpu.memory_space<vmem>> -> memref<128x128xf32, #tpu.memory_space<vmem>>
      tpu.enqueue_dma source(%dma_start3A_56 : memref<128x128xf32, #tpu.memory_space<vmem>>) target(%dma_start3A_52 : memref<128x128xf32, #tpu.memory_space<vmem_shared>>) target_semaphore(%run_scoped3A_45 : memref<!tpu.dma_semaphore, #tpu.memory_space<semaphore_mem>>)
      %dma_wait3A = arith.constant 0 : i32
      %dma_wait3A_57 = arith.constant 0 : i32
      %dma_wait3A_58 = tpu.memref_slice %arg6[%run_scoped3A_20, %dma_wait3A, %dma_wait3A_57] : memref<2x128x128xf32, #tpu.memory_space<vmem>> -> memref<1x128x128xf32, #tpu.memory_space<vmem>>
      %dma_wait3A_59 = tpu.memref_squeeze %dma_wait3A_58 : memref<1x128x128xf32, #tpu.memory_space<vmem>> -> memref<128x128xf32, #tpu.memory_space<vmem>>
      %dma_wait3A_60 = arith.constant 0 : i32
      %dma_wait3A_61 = tpu.memref_slice %arg7[%mul3A_19, %dma_wait3A_60] : memref<10240x128xf32, #tpu.memory_space<vmem_shared>> -> memref<128x128xf32, #tpu.memory_space<vmem_shared>>
      %dma_wait3A_62 = arith.constant 0 : i32
      %dma_wait3A_63 = tpu.memref_slice %arg7[%mul3A_19, %dma_wait3A_62] : memref<10240x128xf32, #tpu.memory_space<vmem_shared>> -> memref<128x128xf32, #tpu.memory_space<vmem_shared>>
      %dma_wait3A_64 = arith.constant 0 : i32
      %dma_wait3A_65 = arith.constant 0 : i32
      %dma_wait3A_66 = tpu.memref_slice %arg6[%run_scoped3A_20, %dma_wait3A_64, %dma_wait3A_65] : memref<2x128x128xf32, #tpu.memory_space<vmem>> -> memref<1x128x128xf32, #tpu.memory_space<vmem>>
      %dma_wait3A_67 = tpu.memref_squeeze %dma_wait3A_66 : memref<1x128x128xf32, #tpu.memory_space<vmem>> -> memref<128x128xf32, #tpu.memory_space<vmem>>
      tpu.wait_dma2 semaphore(%run_scoped3A_45 : memref<!tpu.dma_semaphore, #tpu.memory_space<semaphore_mem>>) src(%dma_wait3A_67 : memref<128x128xf32, #tpu.memory_space<vmem>>) dst(%dma_wait3A_63 : memref<128x128xf32, #tpu.memory_space<vmem_shared>>)
      tpu.yield
    }) : () -> ()
    %mul3A_21 = arith.constant 5 : i32
    %mul3A_22 = arith.muli %arg1, %mul3A_21 : i32
    %add3A_23 = arith.constant 3 : i32
    %add3A_24 = arith.addi %mul3A_22, %add3A_23 : i32
    %mul3A_25 = arith.constant 128 : i32
    %mul3A_26 = arith.muli %add3A_24, %mul3A_25 : i32
    %run_scoped3A_27 = arith.constant 0 : i32
    "tpu.region"() ({
      %run_scoped3A_45 = tpu.sem_alloc : memref<!tpu.dma_semaphore, #tpu.memory_space<semaphore_mem>>
      %dma_start3A = arith.constant 0 : i32
      %dma_start3A_46 = arith.constant 0 : i32
      %dma_start3A_47 = tpu.memref_slice %arg6[%run_scoped3A_27, %dma_start3A, %dma_start3A_46] : memref<2x128x128xf32, #tpu.memory_space<vmem>> -> memref<1x128x128xf32, #tpu.memory_space<vmem>>
      %dma_start3A_48 = tpu.memref_squeeze %dma_start3A_47 : memref<1x128x128xf32, #tpu.memory_space<vmem>> -> memref<128x128xf32, #tpu.memory_space<vmem>>
      %dma_start3A_49 = arith.constant 0 : i32
      %dma_start3A_50 = tpu.memref_slice %arg7[%mul3A_26, %dma_start3A_49] : memref<10240x128xf32, #tpu.memory_space<vmem_shared>> -> memref<128x128xf32, #tpu.memory_space<vmem_shared>>
      %dma_start3A_51 = arith.constant 0 : i32
      %dma_start3A_52 = tpu.memref_slice %arg7[%mul3A_26, %dma_start3A_51] : memref<10240x128xf32, #tpu.memory_space<vmem_shared>> -> memref<128x128xf32, #tpu.memory_space<vmem_shared>>
      %dma_start3A_53 = arith.constant 0 : i32
      %dma_start3A_54 = arith.constant 0 : i32
      %dma_start3A_55 = tpu.memref_slice %arg6[%run_scoped3A_27, %dma_start3A_53, %dma_start3A_54] : memref<2x128x128xf32, #tpu.memory_space<vmem>> -> memref<1x128x128xf32, #tpu.memory_space<vmem>>
      %dma_start3A_56 = tpu.memref_squeeze %dma_start3A_55 : memref<1x128x128xf32, #tpu.memory_space<vmem>> -> memref<128x128xf32, #tpu.memory_space<vmem>>
      tpu.enqueue_dma source(%dma_start3A_56 : memref<128x128xf32, #tpu.memory_space<vmem>>) target(%dma_start3A_52 : memref<128x128xf32, #tpu.memory_space<vmem_shared>>) target_semaphore(%run_scoped3A_45 : memref<!tpu.dma_semaphore, #tpu.memory_space<semaphore_mem>>)
      %dma_wait3A = arith.constant 0 : i32
      %dma_wait3A_57 = arith.constant 0 : i32
      %dma_wait3A_58 = tpu.memref_slice %arg6[%run_scoped3A_27, %dma_wait3A, %dma_wait3A_57] : memref<2x128x128xf32, #tpu.memory_space<vmem>> -> memref<1x128x128xf32, #tpu.memory_space<vmem>>
      %dma_wait3A_59 = tpu.memref_squeeze %dma_wait3A_58 : memref<1x128x128xf32, #tpu.memory_space<vmem>> -> memref<128x128xf32, #tpu.memory_space<vmem>>
      %dma_wait3A_60 = arith.constant 0 : i32
      %dma_wait3A_61 = tpu.memref_slice %arg7[%mul3A_26, %dma_wait3A_60] : memref<10240x128xf32, #tpu.memory_space<vmem_shared>> -> memref<128x128xf32, #tpu.memory_space<vmem_shared>>
      %dma_wait3A_62 = arith.constant 0 : i32
      %dma_wait3A_63 = tpu.memref_slice %arg7[%mul3A_26, %dma_wait3A_62] : memref<10240x128xf32, #tpu.memory_space<vmem_shared>> -> memref<128x128xf32, #tpu.memory_space<vmem_shared>>
      %dma_wait3A_64 = arith.constant 0 : i32
      %dma_wait3A_65 = arith.constant 0 : i32
      %dma_wait3A_66 = tpu.memref_slice %arg6[%run_scoped3A_27, %dma_wait3A_64, %dma_wait3A_65] : memref<2x128x128xf32, #tpu.memory_space<vmem>> -> memref<1x128x128xf32, #tpu.memory_space<vmem>>
      %dma_wait3A_67 = tpu.memref_squeeze %dma_wait3A_66 : memref<1x128x128xf32, #tpu.memory_space<vmem>> -> memref<128x128xf32, #tpu.memory_space<vmem>>
      tpu.wait_dma2 semaphore(%run_scoped3A_45 : memref<!tpu.dma_semaphore, #tpu.memory_space<semaphore_mem>>) src(%dma_wait3A_67 : memref<128x128xf32, #tpu.memory_space<vmem>>) dst(%dma_wait3A_63 : memref<128x128xf32, #tpu.memory_space<vmem_shared>>)
      tpu.yield
    }) : () -> ()
    %mul3A_28 = arith.constant 5 : i32
    %mul3A_29 = arith.muli %arg1, %mul3A_28 : i32
    %add3A_30 = arith.constant 4 : i32
    %add3A_31 = arith.addi %mul3A_29, %add3A_30 : i32
    %mul3A_32 = arith.constant 128 : i32
    %mul3A_33 = arith.muli %add3A_31, %mul3A_32 : i32
    %run_scoped3A_34 = arith.constant 0 : i32
    "tpu.region"() ({
      %run_scoped3A_45 = tpu.sem_alloc : memref<!tpu.dma_semaphore, #tpu.memory_space<semaphore_mem>>
      %dma_start3A = arith.constant 0 : i32
      %dma_start3A_46 = arith.constant 0 : i32
      %dma_start3A_47 = tpu.memref_slice %arg6[%run_scoped3A_34, %dma_start3A, %dma_start3A_46] : memref<2x128x128xf32, #tpu.memory_space<vmem>> -> memref<1x128x128xf32, #tpu.memory_space<vmem>>
      %dma_start3A_48 = tpu.memref_squeeze %dma_start3A_47 : memref<1x128x128xf32, #tpu.memory_space<vmem>> -> memref<128x128xf32, #tpu.memory_space<vmem>>
      %dma_start3A_49 = arith.constant 0 : i32
      %dma_start3A_50 = tpu.memref_slice %arg7[%mul3A_33, %dma_start3A_49] : memref<10240x128xf32, #tpu.memory_space<vmem_shared>> -> memref<128x128xf32, #tpu.memory_space<vmem_shared>>
      %dma_start3A_51 = arith.constant 0 : i32
      %dma_start3A_52 = tpu.memref_slice %arg7[%mul3A_33, %dma_start3A_51] : memref<10240x128xf32, #tpu.memory_space<vmem_shared>> -> memref<128x128xf32, #tpu.memory_space<vmem_shared>>
      %dma_start3A_53 = arith.constant 0 : i32
      %dma_start3A_54 = arith.constant 0 : i32
      %dma_start3A_55 = tpu.memref_slice %arg6[%run_scoped3A_34, %dma_start3A_53, %dma_start3A_54] : memref<2x128x128xf32, #tpu.memory_space<vmem>> -> memref<1x128x128xf32, #tpu.memory_space<vmem>>
      %dma_start3A_56 = tpu.memref_squeeze %dma_start3A_55 : memref<1x128x128xf32, #tpu.memory_space<vmem>> -> memref<128x128xf32, #tpu.memory_space<vmem>>
      tpu.enqueue_dma source(%dma_start3A_56 : memref<128x128xf32, #tpu.memory_space<vmem>>) target(%dma_start3A_52 : memref<128x128xf32, #tpu.memory_space<vmem_shared>>) target_semaphore(%run_scoped3A_45 : memref<!tpu.dma_semaphore, #tpu.memory_space<semaphore_mem>>)
      %dma_wait3A = arith.constant 0 : i32
      %dma_wait3A_57 = arith.constant 0 : i32
      %dma_wait3A_58 = tpu.memref_slice %arg6[%run_scoped3A_34, %dma_wait3A, %dma_wait3A_57] : memref<2x128x128xf32, #tpu.memory_space<vmem>> -> memref<1x128x128xf32, #tpu.memory_space<vmem>>
      %dma_wait3A_59 = tpu.memref_squeeze %dma_wait3A_58 : memref<1x128x128xf32, #tpu.memory_space<vmem>> -> memref<128x128xf32, #tpu.memory_space<vmem>>
      %dma_wait3A_60 = arith.constant 0 : i32
      %dma_wait3A_61 = tpu.memref_slice %arg7[%mul3A_33, %dma_wait3A_60] : memref<10240x128xf32, #tpu.memory_space<vmem_shared>> -> memref<128x128xf32, #tpu.memory_space<vmem_shared>>
      %dma_wait3A_62 = arith.constant 0 : i32
      %dma_wait3A_63 = tpu.memref_slice %arg7[%mul3A_33, %dma_wait3A_62] : memref<10240x128xf32, #tpu.memory_space<vmem_shared>> -> memref<128x128xf32, #tpu.memory_space<vmem_shared>>
      %dma_wait3A_64 = arith.constant 0 : i32
      %dma_wait3A_65 = arith.constant 0 : i32
      %dma_wait3A_66 = tpu.memref_slice %arg6[%run_scoped3A_34, %dma_wait3A_64, %dma_wait3A_65] : memref<2x128x128xf32, #tpu.memory_space<vmem>> -> memref<1x128x128xf32, #tpu.memory_space<vmem>>
      %dma_wait3A_67 = tpu.memref_squeeze %dma_wait3A_66 : memref<1x128x128xf32, #tpu.memory_space<vmem>> -> memref<128x128xf32, #tpu.memory_space<vmem>>
      tpu.wait_dma2 semaphore(%run_scoped3A_45 : memref<!tpu.dma_semaphore, #tpu.memory_space<semaphore_mem>>) src(%dma_wait3A_67 : memref<128x128xf32, #tpu.memory_space<vmem>>) dst(%dma_wait3A_63 : memref<128x128xf32, #tpu.memory_space<vmem_shared>>)
      tpu.yield
    }) : () -> ()
    %barrier3A = arith.constant 0 : index
    tpu.barrier barrier_id(%barrier3A)
    %scan3A = arith.constant 0 : i32
    %scan3A_35 = arith.constant 0 : i32
    %scan3A_36 = arith.constant 79 : i32
    %scan3A_37 = arith.addi %scan3A_35, %scan3A_36 : i32
    %scan3A_38 = arith.constant 1 : i32
    scf.for %scan3A_45 = %scan3A_35 to %scan3A_37 step %scan3A_38  : i32 {
      %run_scoped3A_46 = arith.constant 1 : i32
      "tpu.region"() ({
        %run_scoped3A_47 = tpu.sem_alloc : memref<!tpu.dma_semaphore, #tpu.memory_space<semaphore_mem>>
        %dma_start3A = arith.constant 0 : i32
        %dma_start3A_48 = arith.constant 0 : i32
        %dma_start3A_49 = tpu.memref_slice %arg6[%run_scoped3A_46, %dma_start3A, %dma_start3A_48] : memref<2x128x128xf32, #tpu.memory_space<vmem>> -> memref<1x128x128xf32, #tpu.memory_space<vmem>>
        %dma_start3A_50 = tpu.memref_squeeze %dma_start3A_49 : memref<1x128x128xf32, #tpu.memory_space<vmem>> -> memref<128x128xf32, #tpu.memory_space<vmem>>
        %dma_start3A_51 = arith.constant 0 : i32
        %dma_start3A_52 = tpu.memref_slice %arg5[%scan3A_45, %dma_start3A_51] : memref<79x128xi32, #tpu.memory_space<vmem>> -> memref<1x128xi32, #tpu.memory_space<vmem>>
        %dma_start3A_53 = tpu.memref_squeeze %dma_start3A_52 : memref<1x128xi32, #tpu.memory_space<vmem>> -> memref<128xi32, #tpu.memory_space<vmem>>
        %dma_start3A_54 = arith.constant 0 : i32
        %dma_start3A_55 = arith.constant 0 : i32
        %dma_start3A_56 = tpu.memref_slice %arg7[%dma_start3A_54, %dma_start3A_55] : memref<10240x128xf32, #tpu.memory_space<vmem_shared>> -> memref<10240x128xf32, #tpu.memory_space<vmem_shared>>
        tpu.enqueue_indirect_dma source(%dma_start3A_50 : memref<128x128xf32, #tpu.memory_space<vmem>>) target(%dma_start3A_56 : memref<10240x128xf32, #tpu.memory_space<vmem_shared>>) offsets(%dma_start3A_53 : memref<128xi32, #tpu.memory_space<vmem>>) semaphore(%run_scoped3A_47 : memref<!tpu.dma_semaphore, #tpu.memory_space<semaphore_mem>>) {add = true}
        %dma_wait3A = arith.constant 0 : i32
        %dma_wait3A_57 = arith.constant 0 : i32
        %dma_wait3A_58 = tpu.memref_slice %arg6[%run_scoped3A_46, %dma_wait3A, %dma_wait3A_57] : memref<2x128x128xf32, #tpu.memory_space<vmem>> -> memref<1x128x128xf32, #tpu.memory_space<vmem>>
        %dma_wait3A_59 = tpu.memref_squeeze %dma_wait3A_58 : memref<1x128x128xf32, #tpu.memory_space<vmem>> -> memref<128x128xf32, #tpu.memory_space<vmem>>
        %dma_wait3A_60 = arith.constant 0 : i32
        %dma_wait3A_61 = tpu.memref_slice %arg5[%scan3A_45, %dma_wait3A_60] : memref<79x128xi32, #tpu.memory_space<vmem>> -> memref<1x128xi32, #tpu.memory_space<vmem>>
        %dma_wait3A_62 = tpu.memref_squeeze %dma_wait3A_61 : memref<1x128xi32, #tpu.memory_space<vmem>> -> memref<128xi32, #tpu.memory_space<vmem>>
        %dma_wait3A_63 = arith.constant 0 : i32
        %dma_wait3A_64 = arith.constant 0 : i32
        %dma_wait3A_65 = tpu.memref_slice %arg7[%dma_wait3A_63, %dma_wait3A_64] : memref<10240x128xf32, #tpu.memory_space<vmem_shared>> -> memref<10240x128xf32, #tpu.memory_space<vmem_shared>>
        tpu.wait_indirect_dma semaphore(%run_scoped3A_47 : memref<!tpu.dma_semaphore, #tpu.memory_space<semaphore_mem>>) src(%dma_wait3A_59 : memref<128x128xf32, #tpu.memory_space<vmem>>) dst(%dma_wait3A_65 : memref<10240x128xf32, #tpu.memory_space<vmem_shared>>)
        tpu.yield
      }) : () -> ()
    }
    %scan3A_39 = arith.constant 79 : i32
    %barrier3A_40 = arith.constant 0 : index
    tpu.barrier barrier_id(%barrier3A_40)
    %mul3A_41 = arith.constant 640 : i32
    %mul3A_42 = arith.muli %arg1, %mul3A_41 : i32
    %mul3A_43 = arith.constant 640 : i32
    %mul3A_44 = arith.muli %arg1, %mul3A_43 : i32
    "tpu.region"() ({
      %run_scoped3A_45 = tpu.sem_alloc : memref<!tpu.dma_semaphore, #tpu.memory_space<semaphore_mem>>
      %dma_start3A = arith.constant 0 : i32
      %dma_start3A_46 = arith.constant 0 : i32
      %dma_start3A_47 = tpu.memref_slice %arg4[%arg0, %dma_start3A, %dma_start3A_46] : memref<2x10240x128xf32, #tpu.memory_space<hbm>> -> memref<1x10240x128xf32, #tpu.memory_space<hbm>>
      %dma_start3A_48 = tpu.memref_squeeze %dma_start3A_47 : memref<1x10240x128xf32, #tpu.memory_space<hbm>> -> memref<10240x128xf32, #tpu.memory_space<hbm>>
      %dma_start3A_49 = arith.constant 0 : i32
      %dma_start3A_50 = tpu.memref_slice %dma_start3A_48[%mul3A_44, %dma_start3A_49] : memref<10240x128xf32, #tpu.memory_space<hbm>> -> memref<640x128xf32, #tpu.memory_space<hbm>>
      %dma_start3A_51 = arith.constant 0 : i32
      %dma_start3A_52 = tpu.memref_slice %arg7[%mul3A_42, %dma_start3A_51] : memref<10240x128xf32, #tpu.memory_space<vmem_shared>> -> memref<640x128xf32, #tpu.memory_space<vmem_shared>>
      tpu.enqueue_dma source(%dma_start3A_52 : memref<640x128xf32, #tpu.memory_space<vmem_shared>>) target(%dma_start3A_50 : memref<640x128xf32, #tpu.memory_space<hbm>>) target_semaphore(%run_scoped3A_45 : memref<!tpu.dma_semaphore, #tpu.memory_space<semaphore_mem>>)
      %dma_wait3A = arith.constant 0 : i32
      %dma_wait3A_53 = arith.constant 0 : i32
      %dma_wait3A_54 = tpu.memref_slice %arg4[%arg0, %dma_wait3A, %dma_wait3A_53] : memref<2x10240x128xf32, #tpu.memory_space<hbm>> -> memref<1x10240x128xf32, #tpu.memory_space<hbm>>
      %dma_wait3A_55 = tpu.memref_squeeze %dma_wait3A_54 : memref<1x10240x128xf32, #tpu.memory_space<hbm>> -> memref<10240x128xf32, #tpu.memory_space<hbm>>
      %dma_wait3A_56 = arith.constant 0 : i32
      %dma_wait3A_57 = tpu.memref_slice %dma_wait3A_55[%mul3A_44, %dma_wait3A_56] : memref<10240x128xf32, #tpu.memory_space<hbm>> -> memref<640x128xf32, #tpu.memory_space<hbm>>
      %dma_wait3A_58 = arith.constant 0 : i32
      %dma_wait3A_59 = tpu.memref_slice %arg7[%mul3A_42, %dma_wait3A_58] : memref<10240x128xf32, #tpu.memory_space<vmem_shared>> -> memref<640x128xf32, #tpu.memory_space<vmem_shared>>
      tpu.wait_dma2 semaphore(%run_scoped3A_45 : memref<!tpu.dma_semaphore, #tpu.memory_space<semaphore_mem>>) src(%dma_wait3A_59 : memref<640x128xf32, #tpu.memory_space<vmem_shared>>) dst(%dma_wait3A_57 : memref<640x128xf32, #tpu.memory_space<hbm>>)
      tpu.yield
    }) : () -> ()
    return
  }
}

#map = affine_map<(d0, d1) -> (0, 0)>
#map1 = affine_map<(d0, d1) -> (0, 0, 0)>
module attributes {stable_mosaic.version = 14 : i64} {
  func.func @body(%arg0: i32, %arg1: i32, %arg2: memref<10000x128xf32, #tpu.memory_space<hbm>>, %arg3: memref<32x79x128xi32, #tpu.memory_space<hbm>>, %arg4: memref<32x79x128xi32, #tpu.memory_space<hbm>>, %arg5: memref<128x128xf32, #tpu.memory_space<hbm>>, %arg6: memref<2x10240x128xf32, #tpu.memory_space<hbm>>, %arg7: memref<79x128xi32, #tpu.memory_space<vmem>>, %arg8: memref<79x128xi32, #tpu.memory_space<vmem>>, %arg9: memref<128x128xf32, #tpu.memory_space<vmem>>, %arg10: memref<10240x128xf32, #tpu.memory_space<vmem_shared>>) attributes {dimension_semantics = [#tpu.dimension_semantics<core_parallel>, #tpu.dimension_semantics<subcore_parallel>], iteration_bounds = array<i64: 2, 16>, scalar_prefetch = 0 : i64, scratch_operands = 4 : i64, tpu.core_type = #tpu.core_type<sc_vector_subcore>, window_params = [{transform_indices = #map}, {transform_indices = #map1}, {transform_indices = #map1}, {transform_indices = #map}, {transform_indices = #map1}]} {
    %mul3A = arith.constant 16 : i32
    %mul3A_0 = arith.muli %arg0, %mul3A : i32
    %add3A = arith.addi %mul3A_0, %arg1 : i32
    "tpu.region"() ({
      %run_scoped3A = tpu.sem_alloc : memref<!tpu.dma_semaphore, #tpu.memory_space<semaphore_mem>>
      %dma_start3A = arith.constant 0 : i32
      %dma_start3A_41 = arith.constant 0 : i32
      %dma_start3A_42 = tpu.memref_slice %arg3[%add3A, %dma_start3A, %dma_start3A_41] : memref<32x79x128xi32, #tpu.memory_space<hbm>> -> memref<1x79x128xi32, #tpu.memory_space<hbm>>
      %dma_start3A_43 = tpu.memref_squeeze %dma_start3A_42 : memref<1x79x128xi32, #tpu.memory_space<hbm>> -> memref<79x128xi32, #tpu.memory_space<hbm>>
      %dma_start3A_44 = arith.constant 0 : i32
      %dma_start3A_45 = arith.constant 0 : i32
      %dma_start3A_46 = tpu.memref_slice %arg3[%add3A, %dma_start3A_44, %dma_start3A_45] : memref<32x79x128xi32, #tpu.memory_space<hbm>> -> memref<1x79x128xi32, #tpu.memory_space<hbm>>
      %dma_start3A_47 = tpu.memref_squeeze %dma_start3A_46 : memref<1x79x128xi32, #tpu.memory_space<hbm>> -> memref<79x128xi32, #tpu.memory_space<hbm>>
      tpu.enqueue_dma source(%dma_start3A_47 : memref<79x128xi32, #tpu.memory_space<hbm>>) target(%arg7 : memref<79x128xi32, #tpu.memory_space<vmem>>) target_semaphore(%run_scoped3A : memref<!tpu.dma_semaphore, #tpu.memory_space<semaphore_mem>>)
      %dma_wait3A = arith.constant 0 : i32
      %dma_wait3A_48 = arith.constant 0 : i32
      %dma_wait3A_49 = tpu.memref_slice %arg3[%add3A, %dma_wait3A, %dma_wait3A_48] : memref<32x79x128xi32, #tpu.memory_space<hbm>> -> memref<1x79x128xi32, #tpu.memory_space<hbm>>
      %dma_wait3A_50 = tpu.memref_squeeze %dma_wait3A_49 : memref<1x79x128xi32, #tpu.memory_space<hbm>> -> memref<79x128xi32, #tpu.memory_space<hbm>>
      %dma_wait3A_51 = arith.constant 0 : i32
      %dma_wait3A_52 = arith.constant 0 : i32
      %dma_wait3A_53 = tpu.memref_slice %arg3[%add3A, %dma_wait3A_51, %dma_wait3A_52] : memref<32x79x128xi32, #tpu.memory_space<hbm>> -> memref<1x79x128xi32, #tpu.memory_space<hbm>>
      %dma_wait3A_54 = tpu.memref_squeeze %dma_wait3A_53 : memref<1x79x128xi32, #tpu.memory_space<hbm>> -> memref<79x128xi32, #tpu.memory_space<hbm>>
      tpu.wait_dma2 semaphore(%run_scoped3A : memref<!tpu.dma_semaphore, #tpu.memory_space<semaphore_mem>>) src(%dma_wait3A_54 : memref<79x128xi32, #tpu.memory_space<hbm>>) dst(%arg7 : memref<79x128xi32, #tpu.memory_space<vmem>>)
      tpu.yield
    }) : () -> ()
    "tpu.region"() ({
      %run_scoped3A = tpu.sem_alloc : memref<!tpu.dma_semaphore, #tpu.memory_space<semaphore_mem>>
      %dma_start3A = arith.constant 0 : i32
      %dma_start3A_41 = arith.constant 0 : i32
      %dma_start3A_42 = tpu.memref_slice %arg4[%add3A, %dma_start3A, %dma_start3A_41] : memref<32x79x128xi32, #tpu.memory_space<hbm>> -> memref<1x79x128xi32, #tpu.memory_space<hbm>>
      %dma_start3A_43 = tpu.memref_squeeze %dma_start3A_42 : memref<1x79x128xi32, #tpu.memory_space<hbm>> -> memref<79x128xi32, #tpu.memory_space<hbm>>
      %dma_start3A_44 = arith.constant 0 : i32
      %dma_start3A_45 = arith.constant 0 : i32
      %dma_start3A_46 = tpu.memref_slice %arg4[%add3A, %dma_start3A_44, %dma_start3A_45] : memref<32x79x128xi32, #tpu.memory_space<hbm>> -> memref<1x79x128xi32, #tpu.memory_space<hbm>>
      %dma_start3A_47 = tpu.memref_squeeze %dma_start3A_46 : memref<1x79x128xi32, #tpu.memory_space<hbm>> -> memref<79x128xi32, #tpu.memory_space<hbm>>
      tpu.enqueue_dma source(%dma_start3A_47 : memref<79x128xi32, #tpu.memory_space<hbm>>) target(%arg8 : memref<79x128xi32, #tpu.memory_space<vmem>>) target_semaphore(%run_scoped3A : memref<!tpu.dma_semaphore, #tpu.memory_space<semaphore_mem>>)
      %dma_wait3A = arith.constant 0 : i32
      %dma_wait3A_48 = arith.constant 0 : i32
      %dma_wait3A_49 = tpu.memref_slice %arg4[%add3A, %dma_wait3A, %dma_wait3A_48] : memref<32x79x128xi32, #tpu.memory_space<hbm>> -> memref<1x79x128xi32, #tpu.memory_space<hbm>>
      %dma_wait3A_50 = tpu.memref_squeeze %dma_wait3A_49 : memref<1x79x128xi32, #tpu.memory_space<hbm>> -> memref<79x128xi32, #tpu.memory_space<hbm>>
      %dma_wait3A_51 = arith.constant 0 : i32
      %dma_wait3A_52 = arith.constant 0 : i32
      %dma_wait3A_53 = tpu.memref_slice %arg4[%add3A, %dma_wait3A_51, %dma_wait3A_52] : memref<32x79x128xi32, #tpu.memory_space<hbm>> -> memref<1x79x128xi32, #tpu.memory_space<hbm>>
      %dma_wait3A_54 = tpu.memref_squeeze %dma_wait3A_53 : memref<1x79x128xi32, #tpu.memory_space<hbm>> -> memref<79x128xi32, #tpu.memory_space<hbm>>
      tpu.wait_dma2 semaphore(%run_scoped3A : memref<!tpu.dma_semaphore, #tpu.memory_space<semaphore_mem>>) src(%dma_wait3A_54 : memref<79x128xi32, #tpu.memory_space<hbm>>) dst(%arg8 : memref<79x128xi32, #tpu.memory_space<vmem>>)
      tpu.yield
    }) : () -> ()
    "tpu.region"() ({
      %run_scoped3A = tpu.sem_alloc : memref<!tpu.dma_semaphore, #tpu.memory_space<semaphore_mem>>
      tpu.enqueue_dma source(%arg5 : memref<128x128xf32, #tpu.memory_space<hbm>>) target(%arg9 : memref<128x128xf32, #tpu.memory_space<vmem>>) target_semaphore(%run_scoped3A : memref<!tpu.dma_semaphore, #tpu.memory_space<semaphore_mem>>)
      tpu.wait_dma2 semaphore(%run_scoped3A : memref<!tpu.dma_semaphore, #tpu.memory_space<semaphore_mem>>) src(%arg5 : memref<128x128xf32, #tpu.memory_space<hbm>>) dst(%arg9 : memref<128x128xf32, #tpu.memory_space<vmem>>)
      tpu.yield
    }) : () -> ()
    %mul3A_1 = arith.constant 5 : i32
    %mul3A_2 = arith.muli %arg1, %mul3A_1 : i32
    %add3A_3 = arith.constant 0 : i32
    %add3A_4 = arith.addi %mul3A_2, %add3A_3 : i32
    %mul3A_5 = arith.constant 128 : i32
    %mul3A_6 = arith.muli %add3A_4, %mul3A_5 : i32
    "tpu.region"() ({
      %run_scoped3A = tpu.sem_alloc : memref<!tpu.dma_semaphore, #tpu.memory_space<semaphore_mem>>
      %dma_start3A = arith.constant 0 : i32
      %dma_start3A_41 = tpu.memref_slice %arg10[%mul3A_6, %dma_start3A] : memref<10240x128xf32, #tpu.memory_space<vmem_shared>> -> memref<128x128xf32, #tpu.memory_space<vmem_shared>>
      %dma_start3A_42 = arith.constant 0 : i32
      %dma_start3A_43 = tpu.memref_slice %arg10[%mul3A_6, %dma_start3A_42] : memref<10240x128xf32, #tpu.memory_space<vmem_shared>> -> memref<128x128xf32, #tpu.memory_space<vmem_shared>>
      tpu.enqueue_dma source(%arg9 : memref<128x128xf32, #tpu.memory_space<vmem>>) target(%dma_start3A_43 : memref<128x128xf32, #tpu.memory_space<vmem_shared>>) target_semaphore(%run_scoped3A : memref<!tpu.dma_semaphore, #tpu.memory_space<semaphore_mem>>)
      %dma_wait3A = arith.constant 0 : i32
      %dma_wait3A_44 = tpu.memref_slice %arg10[%mul3A_6, %dma_wait3A] : memref<10240x128xf32, #tpu.memory_space<vmem_shared>> -> memref<128x128xf32, #tpu.memory_space<vmem_shared>>
      %dma_wait3A_45 = arith.constant 0 : i32
      %dma_wait3A_46 = tpu.memref_slice %arg10[%mul3A_6, %dma_wait3A_45] : memref<10240x128xf32, #tpu.memory_space<vmem_shared>> -> memref<128x128xf32, #tpu.memory_space<vmem_shared>>
      tpu.wait_dma2 semaphore(%run_scoped3A : memref<!tpu.dma_semaphore, #tpu.memory_space<semaphore_mem>>) src(%arg9 : memref<128x128xf32, #tpu.memory_space<vmem>>) dst(%dma_wait3A_46 : memref<128x128xf32, #tpu.memory_space<vmem_shared>>)
      tpu.yield
    }) : () -> ()
    %mul3A_7 = arith.constant 5 : i32
    %mul3A_8 = arith.muli %arg1, %mul3A_7 : i32
    %add3A_9 = arith.constant 1 : i32
    %add3A_10 = arith.addi %mul3A_8, %add3A_9 : i32
    %mul3A_11 = arith.constant 128 : i32
    %mul3A_12 = arith.muli %add3A_10, %mul3A_11 : i32
    "tpu.region"() ({
      %run_scoped3A = tpu.sem_alloc : memref<!tpu.dma_semaphore, #tpu.memory_space<semaphore_mem>>
      %dma_start3A = arith.constant 0 : i32
      %dma_start3A_41 = tpu.memref_slice %arg10[%mul3A_12, %dma_start3A] : memref<10240x128xf32, #tpu.memory_space<vmem_shared>> -> memref<128x128xf32, #tpu.memory_space<vmem_shared>>
      %dma_start3A_42 = arith.constant 0 : i32
      %dma_start3A_43 = tpu.memref_slice %arg10[%mul3A_12, %dma_start3A_42] : memref<10240x128xf32, #tpu.memory_space<vmem_shared>> -> memref<128x128xf32, #tpu.memory_space<vmem_shared>>
      tpu.enqueue_dma source(%arg9 : memref<128x128xf32, #tpu.memory_space<vmem>>) target(%dma_start3A_43 : memref<128x128xf32, #tpu.memory_space<vmem_shared>>) target_semaphore(%run_scoped3A : memref<!tpu.dma_semaphore, #tpu.memory_space<semaphore_mem>>)
      %dma_wait3A = arith.constant 0 : i32
      %dma_wait3A_44 = tpu.memref_slice %arg10[%mul3A_12, %dma_wait3A] : memref<10240x128xf32, #tpu.memory_space<vmem_shared>> -> memref<128x128xf32, #tpu.memory_space<vmem_shared>>
      %dma_wait3A_45 = arith.constant 0 : i32
      %dma_wait3A_46 = tpu.memref_slice %arg10[%mul3A_12, %dma_wait3A_45] : memref<10240x128xf32, #tpu.memory_space<vmem_shared>> -> memref<128x128xf32, #tpu.memory_space<vmem_shared>>
      tpu.wait_dma2 semaphore(%run_scoped3A : memref<!tpu.dma_semaphore, #tpu.memory_space<semaphore_mem>>) src(%arg9 : memref<128x128xf32, #tpu.memory_space<vmem>>) dst(%dma_wait3A_46 : memref<128x128xf32, #tpu.memory_space<vmem_shared>>)
      tpu.yield
    }) : () -> ()
    %mul3A_13 = arith.constant 5 : i32
    %mul3A_14 = arith.muli %arg1, %mul3A_13 : i32
    %add3A_15 = arith.constant 2 : i32
    %add3A_16 = arith.addi %mul3A_14, %add3A_15 : i32
    %mul3A_17 = arith.constant 128 : i32
    %mul3A_18 = arith.muli %add3A_16, %mul3A_17 : i32
    "tpu.region"() ({
      %run_scoped3A = tpu.sem_alloc : memref<!tpu.dma_semaphore, #tpu.memory_space<semaphore_mem>>
      %dma_start3A = arith.constant 0 : i32
      %dma_start3A_41 = tpu.memref_slice %arg10[%mul3A_18, %dma_start3A] : memref<10240x128xf32, #tpu.memory_space<vmem_shared>> -> memref<128x128xf32, #tpu.memory_space<vmem_shared>>
      %dma_start3A_42 = arith.constant 0 : i32
      %dma_start3A_43 = tpu.memref_slice %arg10[%mul3A_18, %dma_start3A_42] : memref<10240x128xf32, #tpu.memory_space<vmem_shared>> -> memref<128x128xf32, #tpu.memory_space<vmem_shared>>
      tpu.enqueue_dma source(%arg9 : memref<128x128xf32, #tpu.memory_space<vmem>>) target(%dma_start3A_43 : memref<128x128xf32, #tpu.memory_space<vmem_shared>>) target_semaphore(%run_scoped3A : memref<!tpu.dma_semaphore, #tpu.memory_space<semaphore_mem>>)
      %dma_wait3A = arith.constant 0 : i32
      %dma_wait3A_44 = tpu.memref_slice %arg10[%mul3A_18, %dma_wait3A] : memref<10240x128xf32, #tpu.memory_space<vmem_shared>> -> memref<128x128xf32, #tpu.memory_space<vmem_shared>>
      %dma_wait3A_45 = arith.constant 0 : i32
      %dma_wait3A_46 = tpu.memref_slice %arg10[%mul3A_18, %dma_wait3A_45] : memref<10240x128xf32, #tpu.memory_space<vmem_shared>> -> memref<128x128xf32, #tpu.memory_space<vmem_shared>>
      tpu.wait_dma2 semaphore(%run_scoped3A : memref<!tpu.dma_semaphore, #tpu.memory_space<semaphore_mem>>) src(%arg9 : memref<128x128xf32, #tpu.memory_space<vmem>>) dst(%dma_wait3A_46 : memref<128x128xf32, #tpu.memory_space<vmem_shared>>)
      tpu.yield
    }) : () -> ()
    %mul3A_19 = arith.constant 5 : i32
    %mul3A_20 = arith.muli %arg1, %mul3A_19 : i32
    %add3A_21 = arith.constant 3 : i32
    %add3A_22 = arith.addi %mul3A_20, %add3A_21 : i32
    %mul3A_23 = arith.constant 128 : i32
    %mul3A_24 = arith.muli %add3A_22, %mul3A_23 : i32
    "tpu.region"() ({
      %run_scoped3A = tpu.sem_alloc : memref<!tpu.dma_semaphore, #tpu.memory_space<semaphore_mem>>
      %dma_start3A = arith.constant 0 : i32
      %dma_start3A_41 = tpu.memref_slice %arg10[%mul3A_24, %dma_start3A] : memref<10240x128xf32, #tpu.memory_space<vmem_shared>> -> memref<128x128xf32, #tpu.memory_space<vmem_shared>>
      %dma_start3A_42 = arith.constant 0 : i32
      %dma_start3A_43 = tpu.memref_slice %arg10[%mul3A_24, %dma_start3A_42] : memref<10240x128xf32, #tpu.memory_space<vmem_shared>> -> memref<128x128xf32, #tpu.memory_space<vmem_shared>>
      tpu.enqueue_dma source(%arg9 : memref<128x128xf32, #tpu.memory_space<vmem>>) target(%dma_start3A_43 : memref<128x128xf32, #tpu.memory_space<vmem_shared>>) target_semaphore(%run_scoped3A : memref<!tpu.dma_semaphore, #tpu.memory_space<semaphore_mem>>)
      %dma_wait3A = arith.constant 0 : i32
      %dma_wait3A_44 = tpu.memref_slice %arg10[%mul3A_24, %dma_wait3A] : memref<10240x128xf32, #tpu.memory_space<vmem_shared>> -> memref<128x128xf32, #tpu.memory_space<vmem_shared>>
      %dma_wait3A_45 = arith.constant 0 : i32
      %dma_wait3A_46 = tpu.memref_slice %arg10[%mul3A_24, %dma_wait3A_45] : memref<10240x128xf32, #tpu.memory_space<vmem_shared>> -> memref<128x128xf32, #tpu.memory_space<vmem_shared>>
      tpu.wait_dma2 semaphore(%run_scoped3A : memref<!tpu.dma_semaphore, #tpu.memory_space<semaphore_mem>>) src(%arg9 : memref<128x128xf32, #tpu.memory_space<vmem>>) dst(%dma_wait3A_46 : memref<128x128xf32, #tpu.memory_space<vmem_shared>>)
      tpu.yield
    }) : () -> ()
    %mul3A_25 = arith.constant 5 : i32
    %mul3A_26 = arith.muli %arg1, %mul3A_25 : i32
    %add3A_27 = arith.constant 4 : i32
    %add3A_28 = arith.addi %mul3A_26, %add3A_27 : i32
    %mul3A_29 = arith.constant 128 : i32
    %mul3A_30 = arith.muli %add3A_28, %mul3A_29 : i32
    "tpu.region"() ({
      %run_scoped3A = tpu.sem_alloc : memref<!tpu.dma_semaphore, #tpu.memory_space<semaphore_mem>>
      %dma_start3A = arith.constant 0 : i32
      %dma_start3A_41 = tpu.memref_slice %arg10[%mul3A_30, %dma_start3A] : memref<10240x128xf32, #tpu.memory_space<vmem_shared>> -> memref<128x128xf32, #tpu.memory_space<vmem_shared>>
      %dma_start3A_42 = arith.constant 0 : i32
      %dma_start3A_43 = tpu.memref_slice %arg10[%mul3A_30, %dma_start3A_42] : memref<10240x128xf32, #tpu.memory_space<vmem_shared>> -> memref<128x128xf32, #tpu.memory_space<vmem_shared>>
      tpu.enqueue_dma source(%arg9 : memref<128x128xf32, #tpu.memory_space<vmem>>) target(%dma_start3A_43 : memref<128x128xf32, #tpu.memory_space<vmem_shared>>) target_semaphore(%run_scoped3A : memref<!tpu.dma_semaphore, #tpu.memory_space<semaphore_mem>>)
      %dma_wait3A = arith.constant 0 : i32
      %dma_wait3A_44 = tpu.memref_slice %arg10[%mul3A_30, %dma_wait3A] : memref<10240x128xf32, #tpu.memory_space<vmem_shared>> -> memref<128x128xf32, #tpu.memory_space<vmem_shared>>
      %dma_wait3A_45 = arith.constant 0 : i32
      %dma_wait3A_46 = tpu.memref_slice %arg10[%mul3A_30, %dma_wait3A_45] : memref<10240x128xf32, #tpu.memory_space<vmem_shared>> -> memref<128x128xf32, #tpu.memory_space<vmem_shared>>
      tpu.wait_dma2 semaphore(%run_scoped3A : memref<!tpu.dma_semaphore, #tpu.memory_space<semaphore_mem>>) src(%arg9 : memref<128x128xf32, #tpu.memory_space<vmem>>) dst(%dma_wait3A_46 : memref<128x128xf32, #tpu.memory_space<vmem_shared>>)
      tpu.yield
    }) : () -> ()
    %barrier3A = arith.constant 0 : index
    tpu.barrier barrier_id(%barrier3A)
    %scan3A = arith.constant 0 : i32
    %scan3A_31 = arith.constant 0 : i32
    %scan3A_32 = arith.constant 79 : i32
    %scan3A_33 = arith.addi %scan3A_31, %scan3A_32 : i32
    %scan3A_34 = arith.constant 1 : i32
    scf.for %scan3A_41 = %scan3A_31 to %scan3A_33 step %scan3A_34  : i32 {
      "tpu.region"() ({
        %run_scoped3A = tpu.sem_alloc : memref<!tpu.dma_semaphore, #tpu.memory_space<semaphore_mem>>
        %dma_start3A = arith.constant 0 : i32
        %dma_start3A_42 = tpu.memref_slice %arg7[%scan3A_41, %dma_start3A] : memref<79x128xi32, #tpu.memory_space<vmem>> -> memref<1x128xi32, #tpu.memory_space<vmem>>
        %dma_start3A_43 = tpu.memref_squeeze %dma_start3A_42 : memref<1x128xi32, #tpu.memory_space<vmem>> -> memref<128xi32, #tpu.memory_space<vmem>>
        %dma_start3A_44 = arith.constant 0 : i32
        %dma_start3A_45 = arith.constant 0 : i32
        %dma_start3A_46 = tpu.memref_slice %arg2[%dma_start3A_44, %dma_start3A_45] : memref<10000x128xf32, #tpu.memory_space<hbm>> -> memref<10000x128xf32, #tpu.memory_space<hbm>>
        tpu.enqueue_indirect_dma source(%dma_start3A_46 : memref<10000x128xf32, #tpu.memory_space<hbm>>) target(%arg9 : memref<128x128xf32, #tpu.memory_space<vmem>>) offsets(%dma_start3A_43 : memref<128xi32, #tpu.memory_space<vmem>>) semaphore(%run_scoped3A : memref<!tpu.dma_semaphore, #tpu.memory_space<semaphore_mem>>)
        %dma_wait3A = arith.constant 0 : i32
        %dma_wait3A_47 = tpu.memref_slice %arg7[%scan3A_41, %dma_wait3A] : memref<79x128xi32, #tpu.memory_space<vmem>> -> memref<1x128xi32, #tpu.memory_space<vmem>>
        %dma_wait3A_48 = tpu.memref_squeeze %dma_wait3A_47 : memref<1x128xi32, #tpu.memory_space<vmem>> -> memref<128xi32, #tpu.memory_space<vmem>>
        %dma_wait3A_49 = arith.constant 0 : i32
        %dma_wait3A_50 = arith.constant 0 : i32
        %dma_wait3A_51 = tpu.memref_slice %arg2[%dma_wait3A_49, %dma_wait3A_50] : memref<10000x128xf32, #tpu.memory_space<hbm>> -> memref<10000x128xf32, #tpu.memory_space<hbm>>
        tpu.wait_indirect_dma semaphore(%run_scoped3A : memref<!tpu.dma_semaphore, #tpu.memory_space<semaphore_mem>>) src(%dma_wait3A_51 : memref<10000x128xf32, #tpu.memory_space<hbm>>) dst(%arg9 : memref<128x128xf32, #tpu.memory_space<vmem>>)
        tpu.yield
      }) : () -> ()
      "tpu.region"() ({
        %run_scoped3A = tpu.sem_alloc : memref<!tpu.dma_semaphore, #tpu.memory_space<semaphore_mem>>
        %dma_start3A = arith.constant 0 : i32
        %dma_start3A_42 = tpu.memref_slice %arg8[%scan3A_41, %dma_start3A] : memref<79x128xi32, #tpu.memory_space<vmem>> -> memref<1x128xi32, #tpu.memory_space<vmem>>
        %dma_start3A_43 = tpu.memref_squeeze %dma_start3A_42 : memref<1x128xi32, #tpu.memory_space<vmem>> -> memref<128xi32, #tpu.memory_space<vmem>>
        %dma_start3A_44 = arith.constant 0 : i32
        %dma_start3A_45 = arith.constant 0 : i32
        %dma_start3A_46 = tpu.memref_slice %arg10[%dma_start3A_44, %dma_start3A_45] : memref<10240x128xf32, #tpu.memory_space<vmem_shared>> -> memref<10240x128xf32, #tpu.memory_space<vmem_shared>>
        tpu.enqueue_indirect_dma source(%arg9 : memref<128x128xf32, #tpu.memory_space<vmem>>) target(%dma_start3A_46 : memref<10240x128xf32, #tpu.memory_space<vmem_shared>>) offsets(%dma_start3A_43 : memref<128xi32, #tpu.memory_space<vmem>>) semaphore(%run_scoped3A : memref<!tpu.dma_semaphore, #tpu.memory_space<semaphore_mem>>) {add = true}
        %dma_wait3A = arith.constant 0 : i32
        %dma_wait3A_47 = tpu.memref_slice %arg8[%scan3A_41, %dma_wait3A] : memref<79x128xi32, #tpu.memory_space<vmem>> -> memref<1x128xi32, #tpu.memory_space<vmem>>
        %dma_wait3A_48 = tpu.memref_squeeze %dma_wait3A_47 : memref<1x128xi32, #tpu.memory_space<vmem>> -> memref<128xi32, #tpu.memory_space<vmem>>
        %dma_wait3A_49 = arith.constant 0 : i32
        %dma_wait3A_50 = arith.constant 0 : i32
        %dma_wait3A_51 = tpu.memref_slice %arg10[%dma_wait3A_49, %dma_wait3A_50] : memref<10240x128xf32, #tpu.memory_space<vmem_shared>> -> memref<10240x128xf32, #tpu.memory_space<vmem_shared>>
        tpu.wait_indirect_dma semaphore(%run_scoped3A : memref<!tpu.dma_semaphore, #tpu.memory_space<semaphore_mem>>) src(%arg9 : memref<128x128xf32, #tpu.memory_space<vmem>>) dst(%dma_wait3A_51 : memref<10240x128xf32, #tpu.memory_space<vmem_shared>>)
        tpu.yield
      }) : () -> ()
    }
    %scan3A_35 = arith.constant 79 : i32
    %barrier3A_36 = arith.constant 0 : index
    tpu.barrier barrier_id(%barrier3A_36)
    %mul3A_37 = arith.constant 640 : i32
    %mul3A_38 = arith.muli %arg1, %mul3A_37 : i32
    %mul3A_39 = arith.constant 640 : i32
    %mul3A_40 = arith.muli %arg1, %mul3A_39 : i32
    "tpu.region"() ({
      %run_scoped3A = tpu.sem_alloc : memref<!tpu.dma_semaphore, #tpu.memory_space<semaphore_mem>>
      %dma_start3A = arith.constant 0 : i32
      %dma_start3A_41 = arith.constant 0 : i32
      %dma_start3A_42 = tpu.memref_slice %arg6[%arg0, %dma_start3A, %dma_start3A_41] : memref<2x10240x128xf32, #tpu.memory_space<hbm>> -> memref<1x10240x128xf32, #tpu.memory_space<hbm>>
      %dma_start3A_43 = tpu.memref_squeeze %dma_start3A_42 : memref<1x10240x128xf32, #tpu.memory_space<hbm>> -> memref<10240x128xf32, #tpu.memory_space<hbm>>
      %dma_start3A_44 = arith.constant 0 : i32
      %dma_start3A_45 = tpu.memref_slice %dma_start3A_43[%mul3A_40, %dma_start3A_44] : memref<10240x128xf32, #tpu.memory_space<hbm>> -> memref<640x128xf32, #tpu.memory_space<hbm>>
      %dma_start3A_46 = arith.constant 0 : i32
      %dma_start3A_47 = tpu.memref_slice %arg10[%mul3A_38, %dma_start3A_46] : memref<10240x128xf32, #tpu.memory_space<vmem_shared>> -> memref<640x128xf32, #tpu.memory_space<vmem_shared>>
      tpu.enqueue_dma source(%dma_start3A_47 : memref<640x128xf32, #tpu.memory_space<vmem_shared>>) target(%dma_start3A_45 : memref<640x128xf32, #tpu.memory_space<hbm>>) target_semaphore(%run_scoped3A : memref<!tpu.dma_semaphore, #tpu.memory_space<semaphore_mem>>)
      %dma_wait3A = arith.constant 0 : i32
      %dma_wait3A_48 = arith.constant 0 : i32
      %dma_wait3A_49 = tpu.memref_slice %arg6[%arg0, %dma_wait3A, %dma_wait3A_48] : memref<2x10240x128xf32, #tpu.memory_space<hbm>> -> memref<1x10240x128xf32, #tpu.memory_space<hbm>>
      %dma_wait3A_50 = tpu.memref_squeeze %dma_wait3A_49 : memref<1x10240x128xf32, #tpu.memory_space<hbm>> -> memref<10240x128xf32, #tpu.memory_space<hbm>>
      %dma_wait3A_51 = arith.constant 0 : i32
      %dma_wait3A_52 = tpu.memref_slice %dma_wait3A_50[%mul3A_40, %dma_wait3A_51] : memref<10240x128xf32, #tpu.memory_space<hbm>> -> memref<640x128xf32, #tpu.memory_space<hbm>>
      %dma_wait3A_53 = arith.constant 0 : i32
      %dma_wait3A_54 = tpu.memref_slice %arg10[%mul3A_38, %dma_wait3A_53] : memref<10240x128xf32, #tpu.memory_space<vmem_shared>> -> memref<640x128xf32, #tpu.memory_space<vmem_shared>>
      tpu.wait_dma2 semaphore(%run_scoped3A : memref<!tpu.dma_semaphore, #tpu.memory_space<semaphore_mem>>) src(%dma_wait3A_54 : memref<640x128xf32, #tpu.memory_space<vmem_shared>>) dst(%dma_wait3A_52 : memref<640x128xf32, #tpu.memory_space<hbm>>)
      tpu.yield
    }) : () -> ()
    return
  }
}

module attributes {stable_mosaic.version = 14 : i64} {
  func.func @_tc_first_body(%arg0: i32, %arg1: memref<1000x128xf32, #tpu.memory_space<vmem>>, %arg2: memref<128x128xf32, #tpu.memory_space<vmem>>, %arg3: memref<1000x128xf32, #tpu.memory_space<vmem>>) attributes {dimension_semantics = [#tpu.dimension_semantics<arbitrary>], iteration_bounds = array<i64: 10>, scalar_prefetch = 0 : i64, scratch_operands = 0 : i64, tpu.core_type = #tpu.core_type<tc>, window_params = [{transform_indices = @transform_0, window_bounds = array<i64: 1000, 128>}, {pipeline_mode = #tpu.pipeline_mode<synchronous>, transform_indices = @transform_1, window_bounds = array<i64: 128, 128>}, {transform_indices = @transform_2, window_bounds = array<i64: 1000, 128>}]} {
    %get3A = arith.constant 0 : index
    %get3A_0 = arith.constant 0 : index
    %get3A_1 = vector.load %arg1[%get3A, %get3A_0] : memref<1000x128xf32, #tpu.memory_space<vmem>>, vector<1000x128xf32>
    %get3A_2 = arith.constant 0 : index
    %get3A_3 = arith.constant 0 : index
    %get3A_4 = vector.load %arg2[%get3A_2, %get3A_3] : memref<128x128xf32, #tpu.memory_space<vmem>>, vector<128x128xf32>
    %dot_general3A = arith.constant dense<0.000000e+00> : vector<1000x128xf32>
    %dot_general3A_5 = tpu.matmul %get3A_1, %get3A_4, %dot_general3A {dimension_numbers = #tpu.dot_dimension_numbers<[1], [1], [0], [0], [0, 0, 1, 0], [], []>, transpose_lhs_hint = false} : vector<1000x128xf32>, vector<128x128xf32>, vector<1000x128xf32> -> vector<1000x128xf32>
    %swap3A = arith.constant 0 : index
    %swap3A_6 = arith.constant 0 : index
    %swap3A_7 = vector.load %arg3[%swap3A, %swap3A_6] : memref<1000x128xf32, #tpu.memory_space<vmem>>, vector<1000x128xf32>
    tpu.vector_store %arg3[%swap3A, %swap3A_6], %dot_general3A_5 {strides = array<i32>} : memref<1000x128xf32, #tpu.memory_space<vmem>>, vector<1000x128xf32>,
    return
  }
  func.func @transform_0(%arg0: i32) -> (i32, i32) {
    %c0_i32 = arith.constant 0 : i32
    %c0_i32_0 = arith.constant 0 : i32
    return %arg0, %c0_i32 : i32, i32
  }
  func.func @transform_1(%arg0: i32) -> (i32, i32) {
    %c0_i32 = arith.constant 0 : i32
    %c0_i32_0 = arith.constant 0 : i32
    %c0_i32_1 = arith.constant 0 : i32
    return %c0_i32, %c0_i32_0 : i32, i32
  }
  func.func @transform_2(%arg0: i32) -> (i32, i32) {
    %c0_i32 = arith.constant 0 : i32
    %c0_i32_0 = arith.constant 0 : i32
    return %arg0, %c0_i32 : i32, i32
  }
}

module attributes {stable_mosaic.version = 14 : i64} {
  func.func @_tc_mid1_body(%arg0: i32, %arg1: memref<1000x128xf32, #tpu.memory_space<vmem>>, %arg2: memref<2x1000x128xf32, #tpu.memory_space<vmem>>, %arg3: memref<2x1000x128xf32, #tpu.memory_space<vmem>>, %arg4: memref<128x128xf32, #tpu.memory_space<vmem>>, %arg5: memref<1x128xf32, #tpu.memory_space<vmem>>, %arg6: memref<1x128xf32, #tpu.memory_space<vmem>>, %arg7: memref<1x128xf32, #tpu.memory_space<vmem>>, %arg8: memref<128x128xf32, #tpu.memory_space<vmem>>, %arg9: memref<1000x128xf32, #tpu.memory_space<vmem>>, %arg10: memref<1000x128xf32, #tpu.memory_space<vmem>>, %arg11: memref<1000x128xf32, #tpu.memory_space<vmem>>) attributes {dimension_semantics = [#tpu.dimension_semantics<arbitrary>], iteration_bounds = array<i64: 10>, scalar_prefetch = 0 : i64, scratch_operands = 0 : i64, tpu.core_type = #tpu.core_type<tc>, window_params = [{transform_indices = @transform_0, window_bounds = array<i64: 1000, 128>}, {transform_indices = @transform_1, window_bounds = array<i64: 2, 1000, 128>}, {transform_indices = @transform_2, window_bounds = array<i64: 2, 1000, 128>}, {pipeline_mode = #tpu.pipeline_mode<synchronous>, transform_indices = @transform_3, window_bounds = array<i64: 128, 128>}, {pipeline_mode = #tpu.pipeline_mode<synchronous>, transform_indices = @transform_4, window_bounds = array<i64: 1, 128>}, {pipeline_mode = #tpu.pipeline_mode<synchronous>, transform_indices = @transform_5, window_bounds = array<i64: 1, 128>}, {pipeline_mode = #tpu.pipeline_mode<synchronous>, transform_indices = @transform_6, window_bounds = array<i64: 1, 128>}, {pipeline_mode = #tpu.pipeline_mode<synchronous>, transform_indices = @transform_7, window_bounds = array<i64: 128, 128>}, {transform_indices = @transform_8, window_bounds = array<i64: 1000, 128>}, {transform_indices = @transform_9, window_bounds = array<i64: 1000, 128>}, {transform_indices = @transform_10, window_bounds = array<i64: 1000, 128>}]} {
    %get3A = arith.constant 0 : index
    %get3A_0 = arith.constant 0 : index
    %get3A_1 = arith.constant 0 : index
    %get3A_2 = vector.load %arg3[%get3A, %get3A_0, %get3A_1] : memref<2x1000x128xf32, #tpu.memory_space<vmem>>, vector<1x1000x128xf32>
    %get3A_3 = vector.shape_cast %get3A_2 : vector<1x1000x128xf32> to vector<1000x128xf32>
    %get3A_4 = arith.constant 1 : index
    %get3A_5 = arith.constant 0 : index
    %get3A_6 = arith.constant 0 : index
    %get3A_7 = vector.load %arg3[%get3A_4, %get3A_5, %get3A_6] : memref<2x1000x128xf32, #tpu.memory_space<vmem>>, vector<1x1000x128xf32>
    %get3A_8 = vector.shape_cast %get3A_7 : vector<1x1000x128xf32> to vector<1000x128xf32>
    %add3A = arith.addf %get3A_3, %get3A_8 : vector<1000x128xf32>
    %max3A = arith.constant 1.000000e+00 : f32
    %max3A_9 = vector.broadcast %max3A : f32 to vector<1000x128xf32>
    %max3A_10 = arith.maximumf %add3A, %max3A_9 : vector<1000x128xf32>
    %div3A = arith.constant 1.000000e+00 : f32
    %div3A_11 = vector.broadcast %div3A : f32 to vector<1000x128xf32>
    %div3A_12 = arith.divf %div3A_11, %max3A_10 : vector<1000x128xf32>
    %get3A_13 = arith.constant 0 : index
    %get3A_14 = arith.constant 0 : index
    %get3A_15 = arith.constant 0 : index
    %get3A_16 = vector.load %arg2[%get3A_13, %get3A_14, %get3A_15] : memref<2x1000x128xf32, #tpu.memory_space<vmem>>, vector<1x1000x128xf32>
    %get3A_17 = vector.shape_cast %get3A_16 : vector<1x1000x128xf32> to vector<1000x128xf32>
    %get3A_18 = arith.constant 1 : index
    %get3A_19 = arith.constant 0 : index
    %get3A_20 = arith.constant 0 : index
    %get3A_21 = vector.load %arg2[%get3A_18, %get3A_19, %get3A_20] : memref<2x1000x128xf32, #tpu.memory_space<vmem>>, vector<1x1000x128xf32>
    %get3A_22 = vector.shape_cast %get3A_21 : vector<1x1000x128xf32> to vector<1000x128xf32>
    %add3A_23 = arith.addf %get3A_17, %get3A_22 : vector<1000x128xf32>
    %mul3A = arith.mulf %add3A_23, %div3A_12 : vector<1000x128xf32>
    %get3A_24 = arith.constant 0 : index
    %get3A_25 = arith.constant 0 : index
    %get3A_26 = vector.load %arg1[%get3A_24, %get3A_25] : memref<1000x128xf32, #tpu.memory_space<vmem>>, vector<1000x128xf32>
    %get3A_27 = arith.constant 0 : index
    %get3A_28 = arith.constant 0 : index
    %get3A_29 = vector.load %arg4[%get3A_27, %get3A_28] : memref<128x128xf32, #tpu.memory_space<vmem>>, vector<128x128xf32>
    %dot_general3A = arith.constant dense<0.000000e+00> : vector<1000x128xf32>
    %dot_general3A_30 = tpu.matmul %get3A_26, %get3A_29, %dot_general3A {dimension_numbers = #tpu.dot_dimension_numbers<[1], [1], [0], [0], [0, 0, 1, 0], [], []>, transpose_lhs_hint = false} : vector<1000x128xf32>, vector<128x128xf32>, vector<1000x128xf32> -> vector<1000x128xf32>
    %add3A_31 = arith.addf %mul3A, %dot_general3A_30 : vector<1000x128xf32>
    %get3A_32 = arith.constant 0 : index
    %get3A_33 = arith.constant 0 : index
    %get3A_34 = vector.load %arg5[%get3A_32, %get3A_33] : memref<1x128xf32, #tpu.memory_space<vmem>>, vector<1x128xf32>
    %add3A_35 = vector.broadcast %get3A_34 : vector<1x128xf32> to vector<1000x128xf32>
    %add3A_36 = arith.addf %add3A_31, %add3A_35 : vector<1000x128xf32>
    %get3A_37 = arith.constant 0 : index
    %get3A_38 = arith.constant 0 : index
    %get3A_39 = vector.load %arg6[%get3A_37, %get3A_38] : memref<1x128xf32, #tpu.memory_space<vmem>>, vector<1x128xf32>
    %get3A_40 = arith.constant 0 : index
    %get3A_41 = arith.constant 0 : index
    %get3A_42 = vector.load %arg7[%get3A_40, %get3A_41] : memref<1x128xf32, #tpu.memory_space<vmem>>, vector<1x128xf32>
    %max3A_43 = arith.constant 0.000000e+00 : f32
    %max3A_44 = vector.broadcast %max3A_43 : f32 to vector<1000x128xf32>
    %max3A_45 = arith.maximumf %add3A_36, %max3A_44 : vector<1000x128xf32>
    %reduce_sum3A = arith.constant dense<0.000000e+00> : vector<1000xf32>
    %reduce_sum3A_46 = vector.multi_reduction <add>, %max3A_45, %reduce_sum3A [1] : vector<1000x128xf32> to vector<1000xf32>
    %broadcast_in_dim3A = vector.shape_cast %reduce_sum3A_46 : vector<1000xf32> to vector<1000x1xf32>
    %div3A_47 = arith.constant 1.280000e+02 : f32
    %div3A_48 = vector.broadcast %div3A_47 : f32 to vector<1000x1xf32>
    %div3A_49 = arith.divf %broadcast_in_dim3A, %div3A_48 : vector<1000x1xf32>
    %sub3A = vector.broadcast %div3A_49 : vector<1000x1xf32> to vector<1000x128xf32>
    %sub3A_50 = arith.subf %max3A_45, %sub3A : vector<1000x128xf32>
    %integer_pow3A = arith.mulf %sub3A_50, %sub3A_50 : vector<1000x128xf32>
    %reduce_sum3A_51 = arith.constant dense<0.000000e+00> : vector<1000xf32>
    %reduce_sum3A_52 = vector.multi_reduction <add>, %integer_pow3A, %reduce_sum3A_51 [1] : vector<1000x128xf32> to vector<1000xf32>
    %broadcast_in_dim3A_53 = vector.shape_cast %reduce_sum3A_52 : vector<1000xf32> to vector<1000x1xf32>
    %div3A_54 = arith.constant 1.280000e+02 : f32
    %div3A_55 = vector.broadcast %div3A_54 : f32 to vector<1000x1xf32>
    %div3A_56 = arith.divf %broadcast_in_dim3A_53, %div3A_55 : vector<1000x1xf32>
    %sub3A_57 = vector.broadcast %div3A_49 : vector<1000x1xf32> to vector<1000x128xf32>
    %sub3A_58 = arith.subf %max3A_45, %sub3A_57 : vector<1000x128xf32>
    %add3A_59 = arith.constant 9.99999974E-6 : f32
    %add3A_60 = vector.broadcast %add3A_59 : f32 to vector<1000x1xf32>
    %add3A_61 = arith.addf %div3A_56, %add3A_60 : vector<1000x1xf32>
    %rsqrt3A = math.rsqrt %add3A_61 : vector<1000x1xf32>
    %mul3A_62 = vector.broadcast %rsqrt3A : vector<1000x1xf32> to vector<1000x128xf32>
    %mul3A_63 = arith.mulf %sub3A_58, %mul3A_62 : vector<1000x128xf32>
    %mul3A_64 = vector.broadcast %get3A_39 : vector<1x128xf32> to vector<1000x128xf32>
    %mul3A_65 = arith.mulf %mul3A_63, %mul3A_64 : vector<1000x128xf32>
    %add3A_66 = vector.broadcast %get3A_42 : vector<1x128xf32> to vector<1000x128xf32>
    %add3A_67 = arith.addf %mul3A_65, %add3A_66 : vector<1000x128xf32>
    %swap3A = arith.constant 0 : index
    %swap3A_68 = arith.constant 0 : index
    %swap3A_69 = vector.load %arg9[%swap3A, %swap3A_68] : memref<1000x128xf32, #tpu.memory_space<vmem>>, vector<1000x128xf32>
    tpu.vector_store %arg9[%swap3A, %swap3A_68], %add3A_67 {strides = array<i32>} : memref<1000x128xf32, #tpu.memory_space<vmem>>, vector<1000x128xf32>,
    %get3A_70 = arith.constant 0 : index
    %get3A_71 = arith.constant 0 : index
    %get3A_72 = vector.load %arg8[%get3A_70, %get3A_71] : memref<128x128xf32, #tpu.memory_space<vmem>>, vector<128x128xf32>
    %dot_general3A_73 = arith.constant dense<0.000000e+00> : vector<1000x128xf32>
    %dot_general3A_74 = tpu.matmul %add3A_67, %get3A_72, %dot_general3A_73 {dimension_numbers = #tpu.dot_dimension_numbers<[1], [1], [0], [0], [0, 0, 1, 0], [], []>, transpose_lhs_hint = false} : vector<1000x128xf32>, vector<128x128xf32>, vector<1000x128xf32> -> vector<1000x128xf32>
    %swap3A_75 = arith.constant 0 : index
    %swap3A_76 = arith.constant 0 : index
    %swap3A_77 = vector.load %arg10[%swap3A_75, %swap3A_76] : memref<1000x128xf32, #tpu.memory_space<vmem>>, vector<1000x128xf32>
    tpu.vector_store %arg10[%swap3A_75, %swap3A_76], %dot_general3A_74 {strides = array<i32>} : memref<1000x128xf32, #tpu.memory_space<vmem>>, vector<1000x128xf32>,
    %swap3A_78 = arith.constant 0 : index
    %swap3A_79 = arith.constant 0 : index
    %swap3A_80 = vector.load %arg11[%swap3A_78, %swap3A_79] : memref<1000x128xf32, #tpu.memory_space<vmem>>, vector<1000x128xf32>
    tpu.vector_store %arg11[%swap3A_78, %swap3A_79], %div3A_12 {strides = array<i32>} : memref<1000x128xf32, #tpu.memory_space<vmem>>, vector<1000x128xf32>,
    return
  }
  func.func @transform_0(%arg0: i32) -> (i32, i32) {
    %c0_i32 = arith.constant 0 : i32
    %c0_i32_0 = arith.constant 0 : i32
    return %arg0, %c0_i32 : i32, i32
  }
  func.func @transform_1(%arg0: i32) -> (i32, i32, i32) {
    %c0_i32 = arith.constant 0 : i32
    %c0_i32_0 = arith.constant 0 : i32
    %c0_i32_1 = arith.constant 0 : i32
    return %c0_i32, %arg0, %c0_i32_0 : i32, i32, i32
  }
  func.func @transform_2(%arg0: i32) -> (i32, i32, i32) {
    %c0_i32 = arith.constant 0 : i32
    %c0_i32_0 = arith.constant 0 : i32
    %c0_i32_1 = arith.constant 0 : i32
    return %c0_i32, %arg0, %c0_i32_0 : i32, i32, i32
  }
  func.func @transform_3(%arg0: i32) -> (i32, i32) {
    %c0_i32 = arith.constant 0 : i32
    %c0_i32_0 = arith.constant 0 : i32
    %c0_i32_1 = arith.constant 0 : i32
    return %c0_i32, %c0_i32_0 : i32, i32
  }
  func.func @transform_4(%arg0: i32) -> (i32, i32) {
    %c0_i32 = arith.constant 0 : i32
    %c0_i32_0 = arith.constant 0 : i32
    %c0_i32_1 = arith.constant 0 : i32
    return %c0_i32, %c0_i32_0 : i32, i32
  }
  func.func @transform_5(%arg0: i32) -> (i32, i32) {
    %c0_i32 = arith.constant 0 : i32
    %c0_i32_0 = arith.constant 0 : i32
    %c0_i32_1 = arith.constant 0 : i32
    return %c0_i32, %c0_i32_0 : i32, i32
  }
  func.func @transform_6(%arg0: i32) -> (i32, i32) {
    %c0_i32 = arith.constant 0 : i32
    %c0_i32_0 = arith.constant 0 : i32
    %c0_i32_1 = arith.constant 0 : i32
    return %c0_i32, %c0_i32_0 : i32, i32
  }
  func.func @transform_7(%arg0: i32) -> (i32, i32) {
    %c0_i32 = arith.constant 0 : i32
    %c0_i32_0 = arith.constant 0 : i32
    %c0_i32_1 = arith.constant 0 : i32
    return %c0_i32, %c0_i32_0 : i32, i32
  }
  func.func @transform_8(%arg0: i32) -> (i32, i32) {
    %c0_i32 = arith.constant 0 : i32
    %c0_i32_0 = arith.constant 0 : i32
    return %arg0, %c0_i32 : i32, i32
  }
  func.func @transform_9(%arg0: i32) -> (i32, i32) {
    %c0_i32 = arith.constant 0 : i32
    %c0_i32_0 = arith.constant 0 : i32
    return %arg0, %c0_i32 : i32, i32
  }
  func.func @transform_10(%arg0: i32) -> (i32, i32) {
    %c0_i32 = arith.constant 0 : i32
    %c0_i32_0 = arith.constant 0 : i32
    return %arg0, %c0_i32 : i32, i32
  }
}

module attributes {stable_mosaic.version = 14 : i64} {
  func.func @_tc_mid2_body(%arg0: i32, %arg1: memref<1000x128xf32, #tpu.memory_space<vmem>>, %arg2: memref<2x1000x128xf32, #tpu.memory_space<vmem>>, %arg3: memref<1000x128xf32, #tpu.memory_space<vmem>>, %arg4: memref<128x128xf32, #tpu.memory_space<vmem>>, %arg5: memref<1x128xf32, #tpu.memory_space<vmem>>, %arg6: memref<1x128xf32, #tpu.memory_space<vmem>>, %arg7: memref<1x128xf32, #tpu.memory_space<vmem>>, %arg8: memref<1000x128xf32, #tpu.memory_space<vmem>>) attributes {dimension_semantics = [#tpu.dimension_semantics<arbitrary>], iteration_bounds = array<i64: 10>, scalar_prefetch = 0 : i64, scratch_operands = 0 : i64, tpu.core_type = #tpu.core_type<tc>, window_params = [{transform_indices = @transform_0, window_bounds = array<i64: 1000, 128>}, {transform_indices = @transform_1, window_bounds = array<i64: 2, 1000, 128>}, {transform_indices = @transform_2, window_bounds = array<i64: 1000, 128>}, {pipeline_mode = #tpu.pipeline_mode<synchronous>, transform_indices = @transform_3, window_bounds = array<i64: 128, 128>}, {pipeline_mode = #tpu.pipeline_mode<synchronous>, transform_indices = @transform_4, window_bounds = array<i64: 1, 128>}, {pipeline_mode = #tpu.pipeline_mode<synchronous>, transform_indices = @transform_5, window_bounds = array<i64: 1, 128>}, {pipeline_mode = #tpu.pipeline_mode<synchronous>, transform_indices = @transform_6, window_bounds = array<i64: 1, 128>}, {transform_indices = @transform_7, window_bounds = array<i64: 1000, 128>}]} {
    %get3A = arith.constant 0 : index
    %get3A_0 = arith.constant 0 : index
    %get3A_1 = arith.constant 0 : index
    %get3A_2 = vector.load %arg2[%get3A, %get3A_0, %get3A_1] : memref<2x1000x128xf32, #tpu.memory_space<vmem>>, vector<1x1000x128xf32>
    %get3A_3 = vector.shape_cast %get3A_2 : vector<1x1000x128xf32> to vector<1000x128xf32>
    %get3A_4 = arith.constant 1 : index
    %get3A_5 = arith.constant 0 : index
    %get3A_6 = arith.constant 0 : index
    %get3A_7 = vector.load %arg2[%get3A_4, %get3A_5, %get3A_6] : memref<2x1000x128xf32, #tpu.memory_space<vmem>>, vector<1x1000x128xf32>
    %get3A_8 = vector.shape_cast %get3A_7 : vector<1x1000x128xf32> to vector<1000x128xf32>
    %add3A = arith.addf %get3A_3, %get3A_8 : vector<1000x128xf32>
    %get3A_9 = arith.constant 0 : index
    %get3A_10 = arith.constant 0 : index
    %get3A_11 = vector.load %arg3[%get3A_9, %get3A_10] : memref<1000x128xf32, #tpu.memory_space<vmem>>, vector<1000x128xf32>
    %mul3A = arith.mulf %add3A, %get3A_11 : vector<1000x128xf32>
    %get3A_12 = arith.constant 0 : index
    %get3A_13 = arith.constant 0 : index
    %get3A_14 = vector.load %arg1[%get3A_12, %get3A_13] : memref<1000x128xf32, #tpu.memory_space<vmem>>, vector<1000x128xf32>
    %get3A_15 = arith.constant 0 : index
    %get3A_16 = arith.constant 0 : index
    %get3A_17 = vector.load %arg4[%get3A_15, %get3A_16] : memref<128x128xf32, #tpu.memory_space<vmem>>, vector<128x128xf32>
    %dot_general3A = arith.constant dense<0.000000e+00> : vector<1000x128xf32>
    %dot_general3A_18 = tpu.matmul %get3A_14, %get3A_17, %dot_general3A {dimension_numbers = #tpu.dot_dimension_numbers<[1], [1], [0], [0], [0, 0, 1, 0], [], []>, transpose_lhs_hint = false} : vector<1000x128xf32>, vector<128x128xf32>, vector<1000x128xf32> -> vector<1000x128xf32>
    %add3A_19 = arith.addf %mul3A, %dot_general3A_18 : vector<1000x128xf32>
    %get3A_20 = arith.constant 0 : index
    %get3A_21 = arith.constant 0 : index
    %get3A_22 = vector.load %arg5[%get3A_20, %get3A_21] : memref<1x128xf32, #tpu.memory_space<vmem>>, vector<1x128xf32>
    %add3A_23 = vector.broadcast %get3A_22 : vector<1x128xf32> to vector<1000x128xf32>
    %add3A_24 = arith.addf %add3A_19, %add3A_23 : vector<1000x128xf32>
    %get3A_25 = arith.constant 0 : index
    %get3A_26 = arith.constant 0 : index
    %get3A_27 = vector.load %arg6[%get3A_25, %get3A_26] : memref<1x128xf32, #tpu.memory_space<vmem>>, vector<1x128xf32>
    %get3A_28 = arith.constant 0 : index
    %get3A_29 = arith.constant 0 : index
    %get3A_30 = vector.load %arg7[%get3A_28, %get3A_29] : memref<1x128xf32, #tpu.memory_space<vmem>>, vector<1x128xf32>
    %max3A = arith.constant 0.000000e+00 : f32
    %max3A_31 = vector.broadcast %max3A : f32 to vector<1000x128xf32>
    %max3A_32 = arith.maximumf %add3A_24, %max3A_31 : vector<1000x128xf32>
    %reduce_sum3A = arith.constant dense<0.000000e+00> : vector<1000xf32>
    %reduce_sum3A_33 = vector.multi_reduction <add>, %max3A_32, %reduce_sum3A [1] : vector<1000x128xf32> to vector<1000xf32>
    %broadcast_in_dim3A = vector.shape_cast %reduce_sum3A_33 : vector<1000xf32> to vector<1000x1xf32>
    %div3A = arith.constant 1.280000e+02 : f32
    %div3A_34 = vector.broadcast %div3A : f32 to vector<1000x1xf32>
    %div3A_35 = arith.divf %broadcast_in_dim3A, %div3A_34 : vector<1000x1xf32>
    %sub3A = vector.broadcast %div3A_35 : vector<1000x1xf32> to vector<1000x128xf32>
    %sub3A_36 = arith.subf %max3A_32, %sub3A : vector<1000x128xf32>
    %integer_pow3A = arith.mulf %sub3A_36, %sub3A_36 : vector<1000x128xf32>
    %reduce_sum3A_37 = arith.constant dense<0.000000e+00> : vector<1000xf32>
    %reduce_sum3A_38 = vector.multi_reduction <add>, %integer_pow3A, %reduce_sum3A_37 [1] : vector<1000x128xf32> to vector<1000xf32>
    %broadcast_in_dim3A_39 = vector.shape_cast %reduce_sum3A_38 : vector<1000xf32> to vector<1000x1xf32>
    %div3A_40 = arith.constant 1.280000e+02 : f32
    %div3A_41 = vector.broadcast %div3A_40 : f32 to vector<1000x1xf32>
    %div3A_42 = arith.divf %broadcast_in_dim3A_39, %div3A_41 : vector<1000x1xf32>
    %sub3A_43 = vector.broadcast %div3A_35 : vector<1000x1xf32> to vector<1000x128xf32>
    %sub3A_44 = arith.subf %max3A_32, %sub3A_43 : vector<1000x128xf32>
    %add3A_45 = arith.constant 9.99999974E-6 : f32
    %add3A_46 = vector.broadcast %add3A_45 : f32 to vector<1000x1xf32>
    %add3A_47 = arith.addf %div3A_42, %add3A_46 : vector<1000x1xf32>
    %rsqrt3A = math.rsqrt %add3A_47 : vector<1000x1xf32>
    %mul3A_48 = vector.broadcast %rsqrt3A : vector<1000x1xf32> to vector<1000x128xf32>
    %mul3A_49 = arith.mulf %sub3A_44, %mul3A_48 : vector<1000x128xf32>
    %mul3A_50 = vector.broadcast %get3A_27 : vector<1x128xf32> to vector<1000x128xf32>
    %mul3A_51 = arith.mulf %mul3A_49, %mul3A_50 : vector<1000x128xf32>
    %add3A_52 = vector.broadcast %get3A_30 : vector<1x128xf32> to vector<1000x128xf32>
    %add3A_53 = arith.addf %mul3A_51, %add3A_52 : vector<1000x128xf32>
    %swap3A = arith.constant 0 : index
    %swap3A_54 = arith.constant 0 : index
    %swap3A_55 = vector.load %arg8[%swap3A, %swap3A_54] : memref<1000x128xf32, #tpu.memory_space<vmem>>, vector<1000x128xf32>
    tpu.vector_store %arg8[%swap3A, %swap3A_54], %add3A_53 {strides = array<i32>} : memref<1000x128xf32, #tpu.memory_space<vmem>>, vector<1000x128xf32>,
    return
  }
  func.func @transform_0(%arg0: i32) -> (i32, i32) {
    %c0_i32 = arith.constant 0 : i32
    %c0_i32_0 = arith.constant 0 : i32
    return %arg0, %c0_i32 : i32, i32
  }
  func.func @transform_1(%arg0: i32) -> (i32, i32, i32) {
    %c0_i32 = arith.constant 0 : i32
    %c0_i32_0 = arith.constant 0 : i32
    %c0_i32_1 = arith.constant 0 : i32
    return %c0_i32, %arg0, %c0_i32_0 : i32, i32, i32
  }
  func.func @transform_2(%arg0: i32) -> (i32, i32) {
    %c0_i32 = arith.constant 0 : i32
    %c0_i32_0 = arith.constant 0 : i32
    return %arg0, %c0_i32 : i32, i32
  }
  func.func @transform_3(%arg0: i32) -> (i32, i32) {
    %c0_i32 = arith.constant 0 : i32
    %c0_i32_0 = arith.constant 0 : i32
    %c0_i32_1 = arith.constant 0 : i32
    return %c0_i32, %c0_i32_0 : i32, i32
  }
  func.func @transform_4(%arg0: i32) -> (i32, i32) {
    %c0_i32 = arith.constant 0 : i32
    %c0_i32_0 = arith.constant 0 : i32
    %c0_i32_1 = arith.constant 0 : i32
    return %c0_i32, %c0_i32_0 : i32, i32
  }
  func.func @transform_5(%arg0: i32) -> (i32, i32) {
    %c0_i32 = arith.constant 0 : i32
    %c0_i32_0 = arith.constant 0 : i32
    %c0_i32_1 = arith.constant 0 : i32
    return %c0_i32, %c0_i32_0 : i32, i32
  }
  func.func @transform_6(%arg0: i32) -> (i32, i32) {
    %c0_i32 = arith.constant 0 : i32
    %c0_i32_0 = arith.constant 0 : i32
    %c0_i32_1 = arith.constant 0 : i32
    return %c0_i32, %c0_i32_0 : i32, i32
  }
  func.func @transform_7(%arg0: i32) -> (i32, i32) {
    %c0_i32 = arith.constant 0 : i32
    %c0_i32_0 = arith.constant 0 : i32
    return %arg0, %c0_i32 : i32, i32
  }
}

module attributes {stable_mosaic.version = 14 : i64} {
  func.func @_tc_last_body(%arg0: i32, %arg1: memref<1000x128xf32, #tpu.memory_space<vmem>>, %arg2: memref<2x1000x128xf32, #tpu.memory_space<vmem>>, %arg3: memref<1000x128xf32, #tpu.memory_space<vmem>>, %arg4: memref<64x128xf32, #tpu.memory_space<vmem>>, %arg5: memref<64x128xf32, #tpu.memory_space<vmem>>, %arg6: memref<1x64xf32, #tpu.memory_space<vmem>>, %arg7: memref<1000x64xf32, #tpu.memory_space<vmem>>) attributes {dimension_semantics = [#tpu.dimension_semantics<arbitrary>], iteration_bounds = array<i64: 10>, scalar_prefetch = 0 : i64, scratch_operands = 0 : i64, tpu.core_type = #tpu.core_type<tc>, window_params = [{transform_indices = @transform_0, window_bounds = array<i64: 1000, 128>}, {transform_indices = @transform_1, window_bounds = array<i64: 2, 1000, 128>}, {transform_indices = @transform_2, window_bounds = array<i64: 1000, 128>}, {pipeline_mode = #tpu.pipeline_mode<synchronous>, transform_indices = @transform_3, window_bounds = array<i64: 64, 128>}, {pipeline_mode = #tpu.pipeline_mode<synchronous>, transform_indices = @transform_4, window_bounds = array<i64: 64, 128>}, {pipeline_mode = #tpu.pipeline_mode<synchronous>, transform_indices = @transform_5, window_bounds = array<i64: 1, 64>}, {transform_indices = @transform_6, window_bounds = array<i64: 1000, 64>}]} {
    %get3A = arith.constant 0 : index
    %get3A_0 = arith.constant 0 : index
    %get3A_1 = arith.constant 0 : index
    %get3A_2 = vector.load %arg2[%get3A, %get3A_0, %get3A_1] : memref<2x1000x128xf32, #tpu.memory_space<vmem>>, vector<1x1000x128xf32>
    %get3A_3 = vector.shape_cast %get3A_2 : vector<1x1000x128xf32> to vector<1000x128xf32>
    %get3A_4 = arith.constant 1 : index
    %get3A_5 = arith.constant 0 : index
    %get3A_6 = arith.constant 0 : index
    %get3A_7 = vector.load %arg2[%get3A_4, %get3A_5, %get3A_6] : memref<2x1000x128xf32, #tpu.memory_space<vmem>>, vector<1x1000x128xf32>
    %get3A_8 = vector.shape_cast %get3A_7 : vector<1x1000x128xf32> to vector<1000x128xf32>
    %add3A = arith.addf %get3A_3, %get3A_8 : vector<1000x128xf32>
    %get3A_9 = arith.constant 0 : index
    %get3A_10 = arith.constant 0 : index
    %get3A_11 = vector.load %arg3[%get3A_9, %get3A_10] : memref<1000x128xf32, #tpu.memory_space<vmem>>, vector<1000x128xf32>
    %mul3A = arith.mulf %add3A, %get3A_11 : vector<1000x128xf32>
    %get3A_12 = arith.constant 0 : index
    %get3A_13 = arith.constant 0 : index
    %get3A_14 = vector.load %arg4[%get3A_12, %get3A_13] : memref<64x128xf32, #tpu.memory_space<vmem>>, vector<64x128xf32>
    %dot_general3A = arith.constant dense<0.000000e+00> : vector<1000x64xf32>
    %dot_general3A_15 = tpu.matmul %mul3A, %get3A_14, %dot_general3A {dimension_numbers = #tpu.dot_dimension_numbers<[1], [1], [0], [0], [0, 0, 1, 0], [], []>, transpose_lhs_hint = false} : vector<1000x128xf32>, vector<64x128xf32>, vector<1000x64xf32> -> vector<1000x64xf32>
    %get3A_16 = arith.constant 0 : index
    %get3A_17 = arith.constant 0 : index
    %get3A_18 = vector.load %arg1[%get3A_16, %get3A_17] : memref<1000x128xf32, #tpu.memory_space<vmem>>, vector<1000x128xf32>
    %get3A_19 = arith.constant 0 : index
    %get3A_20 = arith.constant 0 : index
    %get3A_21 = vector.load %arg5[%get3A_19, %get3A_20] : memref<64x128xf32, #tpu.memory_space<vmem>>, vector<64x128xf32>
    %dot_general3A_22 = arith.constant dense<0.000000e+00> : vector<1000x64xf32>
    %dot_general3A_23 = tpu.matmul %get3A_18, %get3A_21, %dot_general3A_22 {dimension_numbers = #tpu.dot_dimension_numbers<[1], [1], [0], [0], [0, 0, 1, 0], [], []>, transpose_lhs_hint = false} : vector<1000x128xf32>, vector<64x128xf32>, vector<1000x64xf32> -> vector<1000x64xf32>
    %add3A_24 = arith.addf %dot_general3A_15, %dot_general3A_23 : vector<1000x64xf32>
    %get3A_25 = arith.constant 0 : index
    %get3A_26 = arith.constant 0 : index
    %get3A_27 = vector.load %arg6[%get3A_25, %get3A_26] : memref<1x64xf32, #tpu.memory_space<vmem>>, vector<1x64xf32>
    %add3A_28 = vector.broadcast %get3A_27 : vector<1x64xf32> to vector<1000x64xf32>
    %add3A_29 = arith.addf %add3A_24, %add3A_28 : vector<1000x64xf32>
    %swap3A = arith.constant 0 : index
    %swap3A_30 = arith.constant 0 : index
    %swap3A_31 = vector.load %arg7[%swap3A, %swap3A_30] : memref<1000x64xf32, #tpu.memory_space<vmem>>, vector<1000x64xf32>
    tpu.vector_store %arg7[%swap3A, %swap3A_30], %add3A_29 {strides = array<i32>} : memref<1000x64xf32, #tpu.memory_space<vmem>>, vector<1000x64xf32>,
    return
  }
  func.func @transform_0(%arg0: i32) -> (i32, i32) {
    %c0_i32 = arith.constant 0 : i32
    %c0_i32_0 = arith.constant 0 : i32
    return %arg0, %c0_i32 : i32, i32
  }
  func.func @transform_1(%arg0: i32) -> (i32, i32, i32) {
    %c0_i32 = arith.constant 0 : i32
    %c0_i32_0 = arith.constant 0 : i32
    %c0_i32_1 = arith.constant 0 : i32
    return %c0_i32, %arg0, %c0_i32_0 : i32, i32, i32
  }
  func.func @transform_2(%arg0: i32) -> (i32, i32) {
    %c0_i32 = arith.constant 0 : i32
    %c0_i32_0 = arith.constant 0 : i32
    return %arg0, %c0_i32 : i32, i32
  }
  func.func @transform_3(%arg0: i32) -> (i32, i32) {
    %c0_i32 = arith.constant 0 : i32
    %c0_i32_0 = arith.constant 0 : i32
    %c0_i32_1 = arith.constant 0 : i32
    return %c0_i32, %c0_i32_0 : i32, i32
  }
  func.func @transform_4(%arg0: i32) -> (i32, i32) {
    %c0_i32 = arith.constant 0 : i32
    %c0_i32_0 = arith.constant 0 : i32
    %c0_i32_1 = arith.constant 0 : i32
    return %c0_i32, %c0_i32_0 : i32, i32
  }
  func.func @transform_5(%arg0: i32) -> (i32, i32) {
    %c0_i32 = arith.constant 0 : i32
    %c0_i32_0 = arith.constant 0 : i32
    %c0_i32_1 = arith.constant 0 : i32
    return %c0_i32, %c0_i32_0 : i32, i32
  }
  func.func @transform_6(%arg0: i32) -> (i32, i32) {
    %c0_i32 = arith.constant 0 : i32
    %c0_i32_0 = arith.constant 0 : i32
    return %arg0, %c0_i32 : i32, i32
  }
}

</mosaic_0001>

<sc_bundles>
// kernel: kernel.10.cloned.1.call-start
scs
__scs_entry_jumppad:
0x0: {  	(pc) =	sbr.rel $0x88, $3  }
0x1: {  	(tag) =	ssettag $0x0;
	lr =	simm.s32 $0x1  }
0x2: {  	[smem:$0x3F92] =	sst lr;
	_ =	strace $0xD0000000  }
0x3: {  	_ = 	snop  }
0x4: {  	_ = 	snop  }
0x5: {  	_ = 	snop  }
0x6: {  	_ = 	snop  }
0x7: {  	_ = 	snop  }
__scs_overlays_trampoline_lowered:
0x8: {  	[smem:$0x3FA1] =	sst s0  }
0x9: {  	[smem:$0x3FA2] =	sst s1  }
0xa: {  	[smem:$0x3FA3] =	sst s2  }
0xb: {  	[smem:$0x3FA4] =	sst s3  }
0xc: {  	[smem:$0x3FA5] =	sst s4  }
0xd: {  	[smem:$0x3FA6] =	sst s5  }
0xe: {  	[smem:$0x3FA7] =	sst s6  }
0xf: {  	[smem:$0x3FA8] =	sst s7  }
0x10: {  	[smem:$0x3FA9] =	sst s8  }
0x11: {  	[smem:$0x3FAA] =	sst s9;
	s0 =	simm.s32 @!p0 $0x0  }
0x12: {  	s1 =	sld [smem:$0x3F90];
	s0 =	simm.s32 @p0 $0x1  }
0x13: {  	[smem:$0x3FAB] =	sst s0;
	s0 =	simm.s32 @!p1 $0x0  }
0x14: {  	s2 =	sld [smem:$0x3F8F];
	s0 =	simm.s32 @p1 $0x1  }
0x15: {  	[smem:$0x3FAC] =	sst s0;
	s0 =	simm.s32 @!p2 $0x0  }
0x16: {  	s3 =	sld [smem:$0x3FDB];
	s0 =	simm.s32 @p2 $0x1  }
0x17: {  	s4 =	simm.s32 $0x1BF5;
	[smem:$0x3FAE] =	sst s0  }
0x18: {  	s0 =	sld [smem:$0x3F91];
	_ =	swait.ge [sflag:s4], $0x0  }
0x19: {  	s7 =	sld [smem:$0x3F92]  }
0x1a: {  	s8 =	sadd.s32 $0xFFFFE003, lr  }
0x1b: {  	s9 =	sadd.s32 $0xFFFFFEF7, lr;
	s5 =	simm.s32 $0xFFFFFFFF;
	p2 =	slt.u32 s8, $0xFFFFF086  }
0x1c: {  	p1 =	slt.u32 s9, $0xF7A;
	s5 =	simm.s32 @!p2 $0x0  }
0x1d: {  	s5 =	simm.s32 @p1 $0x1;
	p0 =	seq.s32 s7, s2  }
0x1e: {  	s7 =	smul.u32 @!p0 $0xF7A, s2;
	p2 =	seq.s32 @!p0 s5, $0x0  }
0x1f: {  	s9 =	smul.u32 $0xF7A, s1;
	s8 =	simm.s32 @!p0 $0x1BF5;
	p2 =	por !p2, p0  }
0x20: {  	[sflag:s8] =	ssyncset.s32 @!p0 $0xFFFFF086;
	s6 =	sadd.s32 @!p0 s3, s7;
	s7 =	simm.s32 @!p0 $0x108  }
0x21: {  	s3 =	sadd.s32 s3, s9;
	s6 =	sadd.s32 @!p0 $0x88, s6;
	s7 =	simm.s32 @p2 $0x1082  }
0x22: {  	[simem:s7], [sflag:s8] =	dma.local @!p0 [hbm:s6], $0xF7A  }
0x23: {  	s9 =	sor.u32 $0xD0000000, s2;
	s6 =	simm.s32 $0x108;
	_ =	swait.ge @!p0 [sflag:s8], $0x0  }
0x24: {  	s3 =	sadd.s32 $0x88, s3;
	s6 =	simm.s32 @!p1 $0x1082;
	[sflag:s4] =	ssyncset.s32 $0xFFFFF086  }
0x25: {  	[simem:s6], [sflag:s4] =	dma.local [hbm:s3], $0xF7A  }
0x26: {  	[smem:$0x3F92] =	sst s1;
	(tag) =	ssettag s2;
	_ =	strace s9  }
0x27: {  	s1 =	sld [smem:$0x3FA2]  }
0x28: {  	s2 =	sld [smem:$0x3FA3]  }
0x29: {  	s4 =	sld [smem:$0x3FA5]  }
0x2a: {  	p0 =	seq.s32 s5, $0x0;
	s5 =	sld [smem:$0x3FA6]  }
0x2b: {  	s6 =	sld [smem:$0x3FA7]  }
0x2c: {  	s7 =	sld [smem:$0x3FA8]  }
0x2d: {  	s3 =	simm.s32 $0x108;
	s8 =	sld [smem:$0x3FA9]  }
0x2e: {  	s3 =	simm.s32 @!p0 $0x1082;
	s9 =	sld [smem:$0x3FAA]  }
0x2f: {  	lr =	sadd.s32 s0, s3;
	s0 =	sld [smem:$0x3FA1]  }
0x30: {  	s3 =	sld [smem:$0x3FA4]  }
0x31: {  	[smem:$0x3FAD] =	sst s10  }
0x32: {  	s10 =	sld [smem:$0x3FAB];
	_ =	sdelay $0x3  }
0x33: {  	p0 =	seq.s32 s10, $0x1;
	s10 =	sld [smem:$0x3FAD];
	_ =	sdelay $0x3  }
0x34: {  	[smem:$0x3FAD] =	sst s10  }
0x35: {  	s10 =	sld [smem:$0x3FAC];
	_ =	sdelay $0x3  }
0x36: {  	p1 =	seq.s32 s10, $0x1;
	s10 =	sld [smem:$0x3FAD];
	_ =	sdelay $0x3  }
0x37: {  	[smem:$0x3FAD] =	sst s10  }
0x38: {  	s10 =	sld [smem:$0x3FAE]  }
0x39: {  	_ = 	snop;
	(pc) =	sbr.ind lr, $3  }
0x3a: {  	_ = 	snop  }
0x3b: {  	_ = 	snop  }
0x3c: {  	p2 =	seq.s32 s10, $0x1;
	s10 =	sld [smem:$0x3FAD]  }
0x3d: {  	_ =	shalt  }
0x3e: {  	_ =	shalt  }
0x3f: {  	_ =	shalt  }
0x40: {  	_ =	shalt  }
0x41: {  	_ =	shalt  }
0x42: {  	_ =	shalt  }
0x43: {  	_ =	shalt  }
0x44: {  	_ =	shalt  }
0x45: {  	_ =	shalt  }
0x46: {  	_ =	shalt  }
0x47: {  	_ =	shalt  }
0x48: {  	_ =	shalt  }
0x49: {  	_ =	shalt  }
0x4a: {  	_ =	shalt  }
0x4b: {  	_ =	shalt  }
0x4c: {  	_ =	shalt  }
0x4d: {  	_ =	shalt  }
0x4e: {  	_ =	shalt  }
0x4f: {  	_ =	shalt  }
0x50: {  	_ =	shalt  }
0x51: {  	_ =	shalt  }
0x52: {  	_ =	shalt  }
0x53: {  	_ =	shalt  }
0x54: {  	_ =	shalt  }
0x55: {  	_ =	shalt  }
0x56: {  	_ =	shalt  }
0x57: {  	_ =	shalt  }
0x58: {  	_ =	shalt  }
0x59: {  	_ =	shalt  }
0x5a: {  	_ =	shalt  }
0x5b: {  	_ =	shalt  }
0x5c: {  	_ =	shalt  }
0x5d: {  	_ =	shalt  }
0x5e: {  	_ =	shalt  }
0x5f: {  	_ =	shalt  }
0x60: {  	_ =	shalt  }
0x61: {  	_ =	shalt  }
0x62: {  	_ =	shalt  }
0x63: {  	_ =	shalt  }
0x64: {  	_ =	shalt  }
0x65: {  	_ =	shalt  }
0x66: {  	_ =	shalt  }
0x67: {  	_ =	shalt  }
0x68: {  	_ =	shalt  }
0x69: {  	_ =	shalt  }
0x6a: {  	_ =	shalt  }
0x6b: {  	_ =	shalt  }
0x6c: {  	_ =	shalt  }
0x6d: {  	_ =	shalt  }
0x6e: {  	_ =	shalt  }
0x6f: {  	_ =	shalt  }
0x70: {  	_ =	shalt  }
0x71: {  	_ =	shalt  }
0x72: {  	_ =	shalt  }
0x73: {  	_ =	shalt  }
0x74: {  	_ =	shalt  }
0x75: {  	_ =	shalt  }
0x76: {  	_ =	shalt  }
0x77: {  	_ =	shalt  }
0x78: {  	_ =	shalt  }
0x79: {  	_ =	shalt  }
0x7a: {  	_ =	shalt  }
0x7b: {  	_ =	shalt  }
0x7c: {  	_ =	shalt  }
0x7d: {  	_ =	shalt  }
0x7e: {  	_ =	shalt  }
0x7f: {  	_ =	shalt  }
0x80: {  	_ =	shalt  }
0x81: {  	_ =	shalt  }
0x82: {  	_ =	shalt  }
0x83: {  	_ =	shalt  }
0x84: {  	_ =	shalt  }
0x85: {  	_ =	shalt  }
0x86: {  	_ =	shalt  }
0x87: {  	_ =	shalt  }
.Lfunc_end0:
.L_simem_size_0:
called_computation_lowered:
.L_overlay_start_0:
0x88: {  	s2 =	sld [smem:$0x3FD9]  }
0x89: {  	s3 =	sld [smem:$0x3FFE];
	_ =	sdelay $0x1  }
0x8a: {  	s1 =	srdreg.scid  }
0x8b: {  	s0 =	sand.u32 $0x1, s1  }
0x8c: {  	s17 =	sshll.u32 s0, $0xA;
	s2 =	sadd.s32 s3, s2  }
0x8d: {  	s2 =	sadd.s32 s2, s17  }
0x8e: {  	[smem:$0x3FB9] =	sst s2  }
0x8f: {  	_ = 	snop  }
0x90: {  	(tm) =	ssettm $0x1  }
0x91: {  	s18 =	sld [smem:$0x3FFB];
	_ =	sdelay $0x3  }
0x92: {  	_ =	strace s18  }
0x93: {  	s2 =	sld [smem:$0x3FFC];
	_ =	sdelay $0x3  }
0x94: {  	_ =	strace s2  }
0x95: {  	s2 =	sld [smem:$0x3FFD];
	_ =	sdelay $0x3  }
0x96: {  	_ =	strace s2  }
0x97: {  	_ =	strace $0x8FFFFFFF  }
0x98: {  	s19 =	sld [smem:$0x3FDB];
	_ =	sdelay $0x1  }
0x99: {  	s20 =	simm.s32 $_scs_section_size  }
0x9a: {  	s4 =	simm.s32 $_size__tile_overlayer_lowered;
	s5 =	simm.s32 $_tile_overlayer_lowered  }
0x9b: {  	s6 =	simm.s32 $0x1BFF;
	s21 =	sshll.u32 s5, $0x1;
	s3 =	sadd.s32 s20, s19  }
0x9c: {  	s22 =	simm.s32 $0x0;
	s4 =	sshll.u32 s4, $0x1;
	s5 =	sadd.s32 s21, s3  }
0x9d: {  	[timem:s22], [sflag:s6] =	dma.local [hbm:s5], s4  }
0x9e: {  	_ =	swait.ge [sflag:s6], s4  }
0x9f: {  	s4 =	ssub.s32 $0x0, s4;
	[sflag:s6] =	ssyncset.done $0x0  }
0xa0: {  	[sflag:s6] =	ssyncadd.s32 s4;
	_ =	sdelay $0x1  }
0xa1: {  	s23 =	simm.s32 $0x1B8B  }
0xa2: {  	_ =	swait.ge [sflag:s23], $0x1  }
0xa3: {  	[sflag:s23] =	ssyncset.done $0x0  }
0xa4: {  	[sflag:s23] =	ssyncadd.s32 $0xFFFFFFFF  }
0xa5: {  	s4 =	sld [smem:$0x0]  }
0xa6: {  	s5 =	sand.u32 $0xFFFFFFFE, s1  }
0xa7: {  	p0 =	sne.s32 s1, s5  }
0xa8: {  	s5 =	sshll.u32 @p0 s5, $0xE  }
0xa9: {  	s5 =	sadd.s32 @p0 $0x11B8D, s5;
	s6 =	sshll.u32 @p0 s4, $0x11  }
0xaa: {  	s5 =	sor.u32 @p0 s6, s5  }
0xab: {  	[sflag:s5] =	ssyncadd.remote.s32 @p0 $0x1;
	_ =	sdelay $0x1  }
0xac: {  	s5 =	simm.s32 @p0 $0x1B8D  }
0xad: {  	_ =	swait.eq @p0 [sflag:s5], $0x1  }
0xae: {  	[sflag:s5] =	ssyncadd.s32 @p0 $0xFFFFFFFF  }
0xaf: {  	s6 =	sshll.u32 @!p0 s1, $0xE  }
0xb0: {  	s6 =	sor.u32 @!p0 $0x4000, s6;
	s5 =	simm.s32 @!p0 $0x1B8D  }
0xb1: {  	s4 =	sshll.u32 @!p0 s4, $0x11;
	s6 =	sadd.s32 @!p0 $0x11B8D, s6;
	_ =	swait.eq @!p0 [sflag:s5], $0x1  }
0xb2: {  	s4 =	sor.u32 @!p0 s4, s6;
	[sflag:s5] =	ssyncadd.s32 @!p0 $0xFFFFFFFF  }
0xb3: {  	s25 =	simm.s32 $0x1B8E;
	s24 =	sld [smem:$0x3FFE];
	[sflag:s4] =	ssyncadd.remote.s32 @!p0 $0x1  }
0xb4: {  	s26 =	simm.s32 $execute0_lowered;
	[smem:$0x3FD2] =	sst s25  }
0xb5: {  	s5 =	sshll.u32 s26, $0x1;
	_ =	strace $0x80000049;
	[dreg:$0x1] =	wrdreg $0xFFFFFFFF  }
0xb6: {  	s28 =	simm.s32 $_size_execute0_lowered;
	s3 =	sadd.s32 s3, s5;
	[dreg:$0x0] =	wrdreg $0x0  }
0xb7: {  	s5 =	sshll.u32 s28, $0x1;
	[dreg:$0x2] =	wrdreg s3  }
0xb8: {  	[dreg:$0x3] =	wrdreg s5  }
0xb9: {  	[dreg:$0x4] =	wrdreg $0xC0  }
0xba: {  	_ =	task [dreg:s22], $0x5FFFF  }
0xbb: {  	[dreg:$0x1] =	wrdreg $0xFFFFFFFF  }
0xbc: {  	[dreg:$0x0] =	wrdreg $0x60  }
0xbd: {  	[dreg:$0x2] =	wrdreg s24  }
0xbe: {  	[dreg:$0x3] =	wrdreg $0xA8000  }
0xbf: {  	[dreg:$0x4] =	wrdreg $0x9  }
0xc0: {  	_ =	task.clear_ibuf [dreg:s22], $0x5FFFF;
	_ =	strace $0x90000049  }
0xc1: {  	s29 =	simm.s32 $0x9;
	_ =	strace $0x8000004B  }
0xc2: {  	_ =	swait.ge [sflag:s29], $0x1  }
0xc3: {  	[sflag:s29] =	ssyncadd.s32 $0xFFFFFFFF  }
0xc4: {  	_ =	strace $0x9000004B  }
0xc5: {  	_ =	sfence  }
0xc6: {  	s30 =	sld [smem:$0x0];
	_ =	sdelay $0x2  }
0xc7: {  	s31 =	sshll.u32 s1, $0xD;
	s1 =	sshrl.u32 s1, $0x2  }
0xc8: {  	s4 =	sand.u32 $0x4000, s31;
	s1 =	sadd.s32 s1, s30  }
0xc9: {  	s0 =	sor.u32 s4, s0;
	s1 =	sshll.u32 s1, $0x11  }
0xca: {  	s0 =	sor.u32 s1, s0  }
0xcb: {  	s0 =	sadd.s32 $0x8F2B, s0  }
0xcc: {  	[sflag:s0] =	ssyncadd.remote.s32 $0x1  }
0xcd: {  	_ =	sfence.sel $0xFFFF  }
0xce: {  	[dreg:$0x0] =	wrdreg $0xFFFFFFFF;
	(pc) =	sbr.abs _section_cstart, $3  }
0xcf: {  	[dreg:$0x1] =	wrdreg $0xFFFFFFFF  }
0xd0: {  	_ =	task.clear_ibuf [dreg:s22], $0x2FFFF;
	_ =	strace $0x9FFFFFFF  }
0xd1: {  	(tm) =	ssettm $0x7FFFFFFF  }
tec
execute0_lowered:
.L_overlay_start_1:
0x0: {  	(tag) =	ssettag $0x1  }
0x1: {  	s6 =	rddreg [dreg:$0x0]  }
0x2: {  	s0 =	srdreg.scid;
	s2 =	rddreg [dreg:$0x1]  }
0x3: {  	s3 =	simm.s32 $0x0;
	s13 =	simm.s32 $0x2800;
	s14 =	simm.s32 $0x80  }
0x4: {  	s15 =	simm.s32 $0x6800;
	s5 =	sand.u32 $0x1, s0;
	s0 =	stileid.u32  }
0x5: {  	s19 =	simm.s32 $0x0;
	[smem:$0x7FF] =	sst s3;
	s7 =	smul.u32 $0x50000, s0  }
0x6: {  	s1 =	sshll.u32 s5, $0x4;
	s9 =	smul.u32 $0x28000, s5;
	s10 =	ssub.s32 $0x2, s5  }
0x7: {  	s17 =	smul.u32 $0x2800, s0;
	s31 =	sshll.u32 s0, $0x6;
	s4 =	sor.u32 s0, s1  }
0x8: {  	s1 =	rddreg [dreg:$0x2];
	_ =	strace $0x8000004A;
	s30 =	sshrl.u32 s10, $0x1  }
0x9: {  	s4 =	smul.u32 $0x500, s4;
	s29 =	sshrl.u32 s7, $0x2;
	s11 =	sadd.s32 s9, s6  }
0xa: {  	s12 =	ssub.s32 s10, s30;
	s5 =	sadd.s32 s29, s2;
	s16 =	sadd.s32 $0x86000, s11  }
0xb: {  	s11 =	smax.u32 s12, $0x1;
	s12 =	simm.s32 $0x1;
	s8 =	sadd.s32 s4, s6  }
0xc: {  	s4 =	sadd.s32 $0x85000, s6;
	s7 =	sadd.s32 $0x4000, s5;
	s9 =	sadd.s32 $0xC000, s5  }
0xd: {  	s10 =	sadd.s32 $0x10000, s5;
	s16 =	sadd.s32 s17, s16;
	s17 =	sor.u32 $0x1C01, s31  }
0xe: {  	s18 =	sshrl.u32 s5, $0x3;
	s6 =	sadd.s32 $0x3600, s8;
	s8 =	sadd.s32 $0x8000, s5  }
.LBB2_1:
0xf: {  	[tilespmem:s3], [sflag:$0x1] =	stream.linear.gather [hbm4b:s6+s3], $0x2780, $0x38;
	[tilespmem:$0x1E800] =	vst v63  }
0x10: {  	_ =	swait.ge [sflag:s12], $0x2780  }
0x11: {  	[sflag:s12] =	ssyncset.done $0x0  }
0x12: {  	[sflag:s12] =	ssyncadd.s32 $0xFFFFD880  }
0x13: {  	[tilespmem:s13], [sflag:$0x1] =	stream.linear.gather [hbm4b:s4+s3], $0x8000, $0x38;
	[tilespmem:$0x1E800] =	vst v63  }
0x14: {  	_ =	swait.ge [sflag:s12], $0x8000  }
0x15: {  	[sflag:s12] =	ssyncset.done $0x0  }
0x16: {  	[sflag:s12] =	ssyncadd.s32 $0xFFFF8000  }
0x17: {  	[spmem:s5] =	stream.linear.scatter [tilespmem:s13], [sflag:$0x1], $0x4000, $0x38;
	[tilespmem:$0x1E800] =	vst v63  }
0x18: {  	_ =	swait.ge [sflag:s12], $0x4000  }
0x19: {  	[sflag:s12] =	ssyncset.done $0x0  }
0x1a: {  	[sflag:s12] =	ssyncadd.s32 $0xFFFFC000  }
0x1b: {  	[spmem:s7] =	stream.linear.scatter [tilespmem:s13], [sflag:$0x1], $0x4000, $0x38;
	[tilespmem:$0x1E800] =	vst v63  }
0x1c: {  	_ =	swait.ge [sflag:s12], $0x4000  }
0x1d: {  	[sflag:s12] =	ssyncset.done $0x0  }
0x1e: {  	[sflag:s12] =	ssyncadd.s32 $0xFFFFC000  }
0x1f: {  	[spmem:s8] =	stream.linear.scatter [tilespmem:s13], [sflag:$0x1], $0x4000, $0x38;
	[tilespmem:$0x1E800] =	vst v63  }
0x20: {  	_ =	swait.ge [sflag:s12], $0x4000  }
0x21: {  	[sflag:s12] =	ssyncset.done $0x0  }
0x22: {  	[sflag:s12] =	ssyncadd.s32 $0xFFFFC000  }
0x23: {  	[spmem:s9] =	stream.linear.scatter [tilespmem:s13], [sflag:$0x1], $0x4000, $0x38;
	[tilespmem:$0x1E800] =	vst v63  }
0x24: {  	_ =	swait.ge [sflag:s12], $0x4000  }
0x25: {  	[sflag:s12] =	ssyncset.done $0x0  }
0x26: {  	[sflag:s12] =	ssyncadd.s32 $0xFFFFC000  }
0x27: {  	[spmem:s10] =	stream.linear.scatter [tilespmem:s13], [sflag:$0x1], $0x4000, $0x38;
	[tilespmem:$0x1E800] =	vst v63  }
0x28: {  	_ =	swait.ge [sflag:s12], $0x4000  }
0x29: {  	[sflag:s12] =	ssyncset.done $0x0  }
0x2a: {  	[sflag:s12] =	ssyncadd.s32 $0xFFFFC000  }
0x2b: {  	s20 =	simm.s32 $0x0;
	[bflag:$0x0] =	sbarrier.arrive $0xFFFF  }
0x2c: {  	[spmem:s2] =	stream.indirect.scatter.add.f32 [tilespmem:s15], [sflag:$0x1], $0x80, s20, s14, $0xb8;
	[tilespmem:$0x1E800] =	vst v63  }
0x2d: {  	_ =	swait.ge [sflag:s12], $0x4000  }
0x2e: {  	s20 =	simm.s32 $0x200;
	[sflag:s12] =	ssyncset.done $0x0  }
.LBB2_2:
0x2f: {  	s21 =	sshra.s32 s20, $0x2;
	[sflag:s12] =	ssyncadd.s32 $0xFFFFC000;
	p0 =	sne.s32 s20, $0x9C00  }
0x30: {  	[spmem:s2] =	stream.indirect.scatter.add.f32 [tilespmem:s15], [sflag:$0x1], $0x80, s21, s14, $0xb8;
	[tilespmem:$0x1E800] =	vst v63  }
.Ltmp0:
0x31: {  	_ = 	snop;
	(pc) =	sbr.rel @p0 .LBB2_2-.Ltmp0, $4  }
0x32: {  	_ = 	snop  }
0x33: {  	s20 =	sadd.s32 $0x200, s20  }
0x34: {  	_ =	swait.ge [sflag:s12], $0x4000  }
0x35: {  	[sflag:s12] =	ssyncset.done $0x0  }
0x36: {  	s19 =	sadd.s32 $0x1, s19  }
0x37: {  	[sflag:s12] =	ssyncadd.s32 $0xFFFFC000;
	p0 =	sne.s32 s19, s11  }
.Ltmp1:
0x38: {  	[bflag:$0x0] =	sbarrier.arrive $0xFFFF;
	(pc) =	sbr.rel @p0 .LBB2_1-.Ltmp1, $4  }
0x39: {  	[hbm:s16], [sflag:s17] =	dma.local [spmem:s18], $0x2800  }
0x3a: {  	_ =	swait.ge [sflag:s12], $0x2800  }
0x3b: {  	[sflag:s12] =	ssyncset.done $0x0  }
0x3c: {  	[sflag:s12] =	ssyncadd.s32 $0xFFFFD800  }
0x3d: {  	_ =	sfence.sel $0x180000  }
0x3e: {  	[bflag:$0x0] =	sbarrier.arrive $0xFFFF  }
0x3f: {  	p0 =	sne.s32 s0, $0x0;
	_ =	strace $0x9000004A  }
0x40: {  	s0 =	sadd.s32 @!p0 $0x100000, s1;
	[bflag:$0x2] =	sbarrier.arrive $0xFFFF  }
0x41: {  	[sflag:s0] =	ssyncadd.tile.s32 @!p0 $0x1;
	_ =	shalt  }
.Lfunc_end2:
_tile_overlayer_lowered:
.L_overlay_start_2:
0x42: {  	(tag) =	ssettag $0x2  }
0x43: {  	s0 =	rddreg [dreg:$0x0];
	s2 =	stileid.u32  }
0x44: {  	s1 =	rddreg [dreg:$0x1];
	p0 =	sne.s32 s2, $0x0  }
0x45: {  	s3 =	rddreg [dreg:$0x2];
	[bflag:$0x3] =	sbarrier.arrive $0xFFFF;
	s2 =	simm.s32 @!p0 $0x1C01  }
0x46: {  	[timem:s3], [sflag:s2] =	dma.local @!p0 [hbm:s0], s1  }
0x47: {  	s0 =	simm.s32 @!p0 $0x1  }
0x48: {  	_ =	swait.ge @!p0 [sflag:s0], s1  }
0x49: {  	s1 =	ssub.s32 @!p0 $0x0, s1;
	[sflag:s0] =	ssyncset.done @!p0 $0x0  }
0x4a: {  	[sflag:s0] =	ssyncadd.s32 @!p0 s1  }
0x4b: {  	[bflag:$0x3] =	sbarrier.arrive $0xFFFF  }
0x4c: {  	_ =	shalt  }

// kernel: kernel.13.cloned.1.call-start
scs
__scs_entry_jumppad:
0x0: {  	(pc) =	sbr.rel $0x88, $3  }
0x1: {  	(tag) =	ssettag $0x0;
	lr =	simm.s32 $0x1  }
0x2: {  	[smem:$0x3F92] =	sst lr;
	_ =	strace $0xD0000000  }
0x3: {  	_ = 	snop  }
0x4: {  	_ = 	snop  }
0x5: {  	_ = 	snop  }
0x6: {  	_ = 	snop  }
0x7: {  	_ = 	snop  }
__scs_overlays_trampoline_lowered:
0x8: {  	[smem:$0x3FA1] =	sst s0  }
0x9: {  	[smem:$0x3FA2] =	sst s1  }
0xa: {  	[smem:$0x3FA3] =	sst s2  }
0xb: {  	[smem:$0x3FA4] =	sst s3  }
0xc: {  	[smem:$0x3FA5] =	sst s4  }
0xd: {  	[smem:$0x3FA6] =	sst s5  }
0xe: {  	[smem:$0x3FA7] =	sst s6  }
0xf: {  	[smem:$0x3FA8] =	sst s7  }
0x10: {  	[smem:$0x3FA9] =	sst s8  }
0x11: {  	[smem:$0x3FAA] =	sst s9;
	s0 =	simm.s32 @!p0 $0x0  }
0x12: {  	s1 =	sld [smem:$0x3F90];
	s0 =	simm.s32 @p0 $0x1  }
0x13: {  	[smem:$0x3FAB] =	sst s0;
	s0 =	simm.s32 @!p1 $0x0  }
0x14: {  	s2 =	sld [smem:$0x3F8F];
	s0 =	simm.s32 @p1 $0x1  }
0x15: {  	[smem:$0x3FAC] =	sst s0;
	s0 =	simm.s32 @!p2 $0x0  }
0x16: {  	s3 =	sld [smem:$0x3FDB];
	s0 =	simm.s32 @p2 $0x1  }
0x17: {  	s4 =	simm.s32 $0x1BF5;
	[smem:$0x3FAE] =	sst s0  }
0x18: {  	s0 =	sld [smem:$0x3F91];
	_ =	swait.ge [sflag:s4], $0x0  }
0x19: {  	s7 =	sld [smem:$0x3F92]  }
0x1a: {  	s8 =	sadd.s32 $0xFFFFE003, lr  }
0x1b: {  	s9 =	sadd.s32 $0xFFFFFEF7, lr;
	s5 =	simm.s32 $0xFFFFFFFF;
	p2 =	slt.u32 s8, $0xFFFFF086  }
0x1c: {  	p1 =	slt.u32 s9, $0xF7A;
	s5 =	simm.s32 @!p2 $0x0  }
0x1d: {  	s5 =	simm.s32 @p1 $0x1;
	p0 =	seq.s32 s7, s2  }
0x1e: {  	s7 =	smul.u32 @!p0 $0xF7A, s2;
	p2 =	seq.s32 @!p0 s5, $0x0  }
0x1f: {  	s9 =	smul.u32 $0xF7A, s1;
	s8 =	simm.s32 @!p0 $0x1BF5;
	p2 =	por !p2, p0  }
0x20: {  	[sflag:s8] =	ssyncset.s32 @!p0 $0xFFFFF086;
	s6 =	sadd.s32 @!p0 s3, s7;
	s7 =	simm.s32 @!p0 $0x108  }
0x21: {  	s3 =	sadd.s32 s3, s9;
	s6 =	sadd.s32 @!p0 $0x88, s6;
	s7 =	simm.s32 @p2 $0x1082  }
0x22: {  	[simem:s7], [sflag:s8] =	dma.local @!p0 [hbm:s6], $0xF7A  }
0x23: {  	s9 =	sor.u32 $0xD0000000, s2;
	s6 =	simm.s32 $0x108;
	_ =	swait.ge @!p0 [sflag:s8], $0x0  }
0x24: {  	s3 =	sadd.s32 $0x88, s3;
	s6 =	simm.s32 @!p1 $0x1082;
	[sflag:s4] =	ssyncset.s32 $0xFFFFF086  }
0x25: {  	[simem:s6], [sflag:s4] =	dma.local [hbm:s3], $0xF7A  }
0x26: {  	[smem:$0x3F92] =	sst s1;
	(tag) =	ssettag s2;
	_ =	strace s9  }
0x27: {  	s1 =	sld [smem:$0x3FA2]  }
0x28: {  	s2 =	sld [smem:$0x3FA3]  }
0x29: {  	s4 =	sld [smem:$0x3FA5]  }
0x2a: {  	p0 =	seq.s32 s5, $0x0;
	s5 =	sld [smem:$0x3FA6]  }
0x2b: {  	s6 =	sld [smem:$0x3FA7]  }
0x2c: {  	s7 =	sld [smem:$0x3FA8]  }
0x2d: {  	s3 =	simm.s32 $0x108;
	s8 =	sld [smem:$0x3FA9]  }
0x2e: {  	s3 =	simm.s32 @!p0 $0x1082;
	s9 =	sld [smem:$0x3FAA]  }
0x2f: {  	lr =	sadd.s32 s0, s3;
	s0 =	sld [smem:$0x3FA1]  }
0x30: {  	s3 =	sld [smem:$0x3FA4]  }
0x31: {  	[smem:$0x3FAD] =	sst s10  }
0x32: {  	s10 =	sld [smem:$0x3FAB];
	_ =	sdelay $0x3  }
0x33: {  	p0 =	seq.s32 s10, $0x1;
	s10 =	sld [smem:$0x3FAD];
	_ =	sdelay $0x3  }
0x34: {  	[smem:$0x3FAD] =	sst s10  }
0x35: {  	s10 =	sld [smem:$0x3FAC];
	_ =	sdelay $0x3  }
0x36: {  	p1 =	seq.s32 s10, $0x1;
	s10 =	sld [smem:$0x3FAD];
	_ =	sdelay $0x3  }
0x37: {  	[smem:$0x3FAD] =	sst s10  }
0x38: {  	s10 =	sld [smem:$0x3FAE]  }
0x39: {  	_ = 	snop;
	(pc) =	sbr.ind lr, $3  }
0x3a: {  	_ = 	snop  }
0x3b: {  	_ = 	snop  }
0x3c: {  	p2 =	seq.s32 s10, $0x1;
	s10 =	sld [smem:$0x3FAD]  }
0x3d: {  	_ =	shalt  }
0x3e: {  	_ =	shalt  }
0x3f: {  	_ =	shalt  }
0x40: {  	_ =	shalt  }
0x41: {  	_ =	shalt  }
0x42: {  	_ =	shalt  }
0x43: {  	_ =	shalt  }
0x44: {  	_ =	shalt  }
0x45: {  	_ =	shalt  }
0x46: {  	_ =	shalt  }
0x47: {  	_ =	shalt  }
0x48: {  	_ =	shalt  }
0x49: {  	_ =	shalt  }
0x4a: {  	_ =	shalt  }
0x4b: {  	_ =	shalt  }
0x4c: {  	_ =	shalt  }
0x4d: {  	_ =	shalt  }
0x4e: {  	_ =	shalt  }
0x4f: {  	_ =	shalt  }
0x50: {  	_ =	shalt  }
0x51: {  	_ =	shalt  }
0x52: {  	_ =	shalt  }
0x53: {  	_ =	shalt  }
0x54: {  	_ =	shalt  }
0x55: {  	_ =	shalt  }
0x56: {  	_ =	shalt  }
0x57: {  	_ =	shalt  }
0x58: {  	_ =	shalt  }
0x59: {  	_ =	shalt  }
0x5a: {  	_ =	shalt  }
0x5b: {  	_ =	shalt  }
0x5c: {  	_ =	shalt  }
0x5d: {  	_ =	shalt  }
0x5e: {  	_ =	shalt  }
0x5f: {  	_ =	shalt  }
0x60: {  	_ =	shalt  }
0x61: {  	_ =	shalt  }
0x62: {  	_ =	shalt  }
0x63: {  	_ =	shalt  }
0x64: {  	_ =	shalt  }
0x65: {  	_ =	shalt  }
0x66: {  	_ =	shalt  }
0x67: {  	_ =	shalt  }
0x68: {  	_ =	shalt  }
0x69: {  	_ =	shalt  }
0x6a: {  	_ =	shalt  }
0x6b: {  	_ =	shalt  }
0x6c: {  	_ =	shalt  }
0x6d: {  	_ =	shalt  }
0x6e: {  	_ =	shalt  }
0x6f: {  	_ =	shalt  }
0x70: {  	_ =	shalt  }
0x71: {  	_ =	shalt  }
0x72: {  	_ =	shalt  }
0x73: {  	_ =	shalt  }
0x74: {  	_ =	shalt  }
0x75: {  	_ =	shalt  }
0x76: {  	_ =	shalt  }
0x77: {  	_ =	shalt  }
0x78: {  	_ =	shalt  }
0x79: {  	_ =	shalt  }
0x7a: {  	_ =	shalt  }
0x7b: {  	_ =	shalt  }
0x7c: {  	_ =	shalt  }
0x7d: {  	_ =	shalt  }
0x7e: {  	_ =	shalt  }
0x7f: {  	_ =	shalt  }
0x80: {  	_ =	shalt  }
0x81: {  	_ =	shalt  }
0x82: {  	_ =	shalt  }
0x83: {  	_ =	shalt  }
0x84: {  	_ =	shalt  }
0x85: {  	_ =	shalt  }
0x86: {  	_ =	shalt  }
0x87: {  	_ =	shalt  }
.Lfunc_end0:
.L_simem_size_0:
called_computation.1_lowered:
.L_overlay_start_0:
0x88: {  	s2 =	sld [smem:$0x3FD9]  }
0x89: {  	s3 =	sld [smem:$0x3FFE];
	_ =	sdelay $0x1  }
0x8a: {  	s1 =	srdreg.scid  }
0x8b: {  	s0 =	sand.u32 $0x1, s1  }
0x8c: {  	s17 =	sshll.u32 s0, $0xA;
	s2 =	sadd.s32 s3, s2  }
0x8d: {  	s2 =	sadd.s32 s2, s17  }
0x8e: {  	[smem:$0x3FB9] =	sst s2  }
0x8f: {  	_ = 	snop  }
0x90: {  	s2 =	sld [smem:$0x3FD0];
	(tm) =	ssettm $0x1  }
0x91: {  	s18 =	sld [smem:$0x3FFB];
	_ =	sdelay $0x3  }
0x92: {  	_ =	strace s18  }
0x93: {  	s3 =	sld [smem:$0x3FFC];
	_ =	sdelay $0x3  }
0x94: {  	_ =	strace s3  }
0x95: {  	s3 =	sld [smem:$0x3FFD];
	_ =	sdelay $0x3  }
0x96: {  	_ =	strace s3  }
0x97: {  	_ =	strace $0x8FFFFFFF  }
0x98: {  	s19 =	sld [smem:$0x3FDB];
	_ =	sdelay $0x1  }
0x99: {  	s4 =	simm.s32 $_scs_section_size  }
0x9a: {  	s5 =	simm.s32 $_size__tile_overlayer_lowered;
	s6 =	simm.s32 $_tile_overlayer_lowered  }
0x9b: {  	s22 =	simm.s32 $0x1BFF;
	s21 =	sshll.u32 s6, $0x1;
	s3 =	sadd.s32 s4, s19  }
0x9c: {  	s7 =	simm.s32 $0x0;
	s20 =	sshll.u32 s5, $0x1;
	s5 =	sadd.s32 s21, s3  }
0x9d: {  	[timem:s7], [sflag:s22] =	dma.local [hbm:s5], s20  }
0x9e: {  	_ =	swait.ge [sflag:s22], s20  }
0x9f: {  	s4 =	ssub.s32 $0x0, s20;
	[sflag:s22] =	ssyncset.done $0x0  }
0xa0: {  	[sflag:s22] =	ssyncadd.s32 s4;
	_ =	sdelay $0x1  }
0xa1: {  	s23 =	simm.s32 $0x1B8B  }
0xa2: {  	_ =	swait.ge [sflag:s23], $0x1  }
0xa3: {  	[sflag:s23] =	ssyncset.done $0x0  }
0xa4: {  	s25 =	simm.s32 $0x1B8E;
	s24 =	sld [smem:$0x3FFE];
	[sflag:s23] =	ssyncadd.s32 $0xFFFFFFFF  }
0xa5: {  	s26 =	simm.s32 $execute0_lowered;
	[smem:$0x3FD2] =	sst s25  }
0xa6: {  	s5 =	sshll.u32 s26, $0x1;
	_ =	strace $0x80000046;
	[dreg:$0x1] =	wrdreg $0xFFFFFFFF  }
0xa7: {  	s28 =	simm.s32 $_size_execute0_lowered;
	s3 =	sadd.s32 s3, s5;
	[dreg:$0x0] =	wrdreg $0x0  }
0xa8: {  	s5 =	sshll.u32 s28, $0x1;
	[dreg:$0x2] =	wrdreg s3  }
0xa9: {  	[dreg:$0x3] =	wrdreg s5  }
0xaa: {  	[dreg:$0x4] =	wrdreg $0xC0  }
0xab: {  	_ =	task [dreg:s7], $0x5FFFF  }
0xac: {  	[dreg:$0x1] =	wrdreg $0xFFFFFFFF  }
0xad: {  	[dreg:$0x0] =	wrdreg $0x60  }
0xae: {  	[dreg:$0x2] =	wrdreg s24  }
0xaf: {  	[dreg:$0x3] =	wrdreg s2  }
0xb0: {  	[dreg:$0x4] =	wrdreg $0x90000  }
0xb1: {  	[dreg:$0x5] =	wrdreg $0xA  }
0xb2: {  	_ =	task.clear_ibuf [dreg:s7], $0x6FFFF;
	_ =	strace $0x90000046  }
0xb3: {  	s29 =	simm.s32 $0xA;
	_ =	strace $0x80000048  }
0xb4: {  	_ =	swait.ge [sflag:s29], $0x1  }
0xb5: {  	[sflag:s29] =	ssyncadd.s32 $0xFFFFFFFF  }
0xb6: {  	_ =	strace $0x90000048  }
0xb7: {  	_ =	sfence  }
0xb8: {  	s30 =	sld [smem:$0x0];
	_ =	sdelay $0x2  }
0xb9: {  	s31 =	sshll.u32 s1, $0xD;
	s1 =	sshrl.u32 s1, $0x2  }
0xba: {  	s3 =	sand.u32 $0x4000, s31;
	s1 =	sadd.s32 s1, s30  }
0xbb: {  	s0 =	sor.u32 s3, s0;
	s1 =	sshll.u32 s1, $0x11  }
0xbc: {  	s0 =	sor.u32 s1, s0  }
0xbd: {  	s0 =	sadd.s32 $0x8F2B, s0  }
0xbe: {  	[sflag:s0] =	ssyncadd.remote.s32 $0x1  }
0xbf: {  	_ =	sfence.sel $0xFFFF  }
0xc0: {  	[dreg:$0x0] =	wrdreg $0xFFFFFFFF;
	(pc) =	sbr.abs _section_cstart, $3  }
0xc1: {  	[dreg:$0x1] =	wrdreg $0xFFFFFFFF  }
0xc2: {  	_ =	task.clear_ibuf [dreg:s7], $0x2FFFF;
	_ =	strace $0x9FFFFFFF  }
0xc3: {  	(tm) =	ssettm $0x7FFFFFFF  }
tec
execute0_lowered:
.L_overlay_start_1:
0x0: {  	(tag) =	ssettag $0x1  }
0x1: {  	s6 =	rddreg [dreg:$0x0]  }
0x2: {  	s0 =	srdreg.scid;
	s7 =	rddreg [dreg:$0x1]  }
0x3: {  	s2 =	rddreg [dreg:$0x2];
	s1 =	stileid.u32;
	s3 =	simm.s32 $0x0  }
0x4: {  	s15 =	simm.s32 $0x2800;
	s16 =	simm.s32 $0x5000;
	s17 =	simm.s32 $0x80  }
0x5: {  	s5 =	sand.u32 $0x1, s0;
	s0 =	rddreg [dreg:$0x3];
	s9 =	smul.u32 $0x50000, s1  }
0x6: {  	s21 =	simm.s32 $0x0;
	[smem:$0x7FF] =	sst s3;
	s19 =	smul.u32 $0x2800, s1  }
0x7: {  	s31 =	sshll.u32 s1, $0x6;
	s4 =	sshll.u32 s5, $0x4;
	_ =	strace $0x80000047  }
0x8: {  	s11 =	smul.u32 $0x28000, s5;
	s12 =	ssub.s32 $0x2, s5;
	s5 =	sadd.s32 $0x34800, s6  }
0x9: {  	s4 =	sor.u32 s1, s4;
	s13 =	sshrl.u32 s12, $0x1;
	s9 =	sshrl.u32 s9, $0x2  }
0xa: {  	s8 =	smul.u32 $0x500, s4;
	s14 =	sadd.s32 s11, s6;
	s13 =	ssub.s32 s12, s13  }
0xb: {  	s4 =	sadd.s32 $0xD600, s6;
	s18 =	sadd.s32 $0x35000, s14;
	s13 =	smax.u32 s13, $0x1  }
0xc: {  	s14 =	simm.s32 $0x1;
	s10 =	sadd.s32 s8, s6;
	s6 =	sadd.s32 s9, s2  }
0xd: {  	s7 =	sadd.s32 s7, s8;
	s18 =	sadd.s32 s19, s18;
	s19 =	sor.u32 $0x1C01, s31  }
0xe: {  	s8 =	sadd.s32 $0x3600, s10;
	s9 =	sadd.s32 $0x4000, s6;
	s10 =	sadd.s32 $0x8000, s6  }
0xf: {  	s11 =	sadd.s32 $0xC000, s6;
	s12 =	sadd.s32 $0x10000, s6;
	s20 =	sshrl.u32 s6, $0x3  }
.LBB2_1:
0x10: {  	[tilespmem:s3], [sflag:$0x1] =	stream.linear.gather [hbm4b:s7+s3], $0x2780, $0x38;
	[tilespmem:$0x1D000] =	vst v63  }
0x11: {  	_ =	swait.ge [sflag:s14], $0x2780  }
0x12: {  	[sflag:s14] =	ssyncset.done $0x0  }
0x13: {  	[sflag:s14] =	ssyncadd.s32 $0xFFFFD880  }
0x14: {  	[tilespmem:s15], [sflag:$0x1] =	stream.linear.gather [hbm4b:s8+s3], $0x2780, $0x38;
	[tilespmem:$0x1D000] =	vst v63  }
0x15: {  	_ =	swait.ge [sflag:s14], $0x2780  }
0x16: {  	[sflag:s14] =	ssyncset.done $0x0  }
0x17: {  	[sflag:s14] =	ssyncadd.s32 $0xFFFFD880  }
0x18: {  	[tilespmem:s16], [sflag:$0x1] =	stream.linear.gather [hbm4b:s5+s3], $0x4000, $0x38;
	[tilespmem:$0x1D000] =	vst v63  }
0x19: {  	_ =	swait.ge [sflag:s14], $0x4000  }
0x1a: {  	[sflag:s14] =	ssyncset.done $0x0  }
0x1b: {  	[sflag:s14] =	ssyncadd.s32 $0xFFFFC000  }
0x1c: {  	[spmem:s6] =	stream.linear.scatter [tilespmem:s16], [sflag:$0x1], $0x4000, $0x38;
	[tilespmem:$0x1D000] =	vst v63  }
0x1d: {  	_ =	swait.ge [sflag:s14], $0x4000  }
0x1e: {  	[sflag:s14] =	ssyncset.done $0x0  }
0x1f: {  	[sflag:s14] =	ssyncadd.s32 $0xFFFFC000  }
0x20: {  	[spmem:s9] =	stream.linear.scatter [tilespmem:s16], [sflag:$0x1], $0x4000, $0x38;
	[tilespmem:$0x1D000] =	vst v63  }
0x21: {  	_ =	swait.ge [sflag:s14], $0x4000  }
0x22: {  	[sflag:s14] =	ssyncset.done $0x0  }
0x23: {  	[sflag:s14] =	ssyncadd.s32 $0xFFFFC000  }
0x24: {  	[spmem:s10] =	stream.linear.scatter [tilespmem:s16], [sflag:$0x1], $0x4000, $0x38;
	[tilespmem:$0x1D000] =	vst v63  }
0x25: {  	_ =	swait.ge [sflag:s14], $0x4000  }
0x26: {  	[sflag:s14] =	ssyncset.done $0x0  }
0x27: {  	[sflag:s14] =	ssyncadd.s32 $0xFFFFC000  }
0x28: {  	[spmem:s11] =	stream.linear.scatter [tilespmem:s16], [sflag:$0x1], $0x4000, $0x38;
	[tilespmem:$0x1D000] =	vst v63  }
0x29: {  	_ =	swait.ge [sflag:s14], $0x4000  }
0x2a: {  	[sflag:s14] =	ssyncset.done $0x0  }
0x2b: {  	[sflag:s14] =	ssyncadd.s32 $0xFFFFC000  }
0x2c: {  	[spmem:s12] =	stream.linear.scatter [tilespmem:s16], [sflag:$0x1], $0x4000, $0x38;
	[tilespmem:$0x1D000] =	vst v63  }
0x2d: {  	_ =	swait.ge [sflag:s14], $0x4000  }
0x2e: {  	[sflag:s14] =	ssyncset.done $0x0  }
0x2f: {  	[sflag:s14] =	ssyncadd.s32 $0xFFFFC000  }
0x30: {  	s22 =	simm.s32 $0x0;
	[bflag:$0x0] =	sbarrier.arrive $0xFFFF  }
0x31: {  	[tilespmem:s16], [sflag:$0x1] =	stream.indirect.gather [hbm4b:s4+s17], $0x80, s22, s17, $0xb8;
	[tilespmem:$0x1D000] =	vst v63  }
0x32: {  	_ =	swait.ge [sflag:s14], $0x4000  }
0x33: {  	[sflag:s14] =	ssyncset.done $0x0  }
0x34: {  	s31 =	simm.s32 $0x2800;
	[sflag:s14] =	ssyncadd.s32 $0xFFFFC000  }
0x35: {  	[spmem:s2] =	stream.indirect.scatter.add.f32 [tilespmem:s16], [sflag:$0x1], $0x80, s31, s17, $0xb8;
	[tilespmem:$0x1D000] =	vst v63  }
0x36: {  	_ =	swait.ge [sflag:s14], $0x4000  }
0x37: {  	s23 =	simm.s32 $0x400;
	s22 =	simm.s32 $0x200;
	[sflag:s14] =	ssyncset.done $0x0  }
.LBB2_2:
0x38: {  	s24 =	sshra.s32 s22, $0x2  }
0x39: {  	[sflag:s14] =	ssyncadd.s32 $0xFFFFC000;
	s22 =	smov.u32 s23;
	s25 =	sadd.s32 $0x200, s23  }
0x3a: {  	[tilespmem:s16], [sflag:$0x1] =	stream.indirect.gather [hbm4b:s4+s17], $0x80, s24, s17, $0xb8;
	[tilespmem:$0x1D000] =	vst v63  }
0x3b: {  	p0 =	sne.s32 s23, $0x9C00;
	_ =	swait.ge [sflag:s14], $0x4000  }
.Ltmp0:
0x3c: {  	[sflag:s14] =	ssyncset.done $0x0;
	(pc) =	sbr.rel @p0 .LBB2_2-.Ltmp0, $4  }
0x3d: {  	s23 =	sadd.s32 $0x2800, s24;
	[sflag:s14] =	ssyncadd.s32 $0xFFFFC000  }
0x3e: {  	[spmem:s2] =	stream.indirect.scatter.add.f32 [tilespmem:s16], [sflag:$0x1], $0x80, s23, s17, $0xb8;
	[tilespmem:$0x1D000] =	vst v63  }
0x3f: {  	_ =	swait.ge [sflag:s14], $0x4000  }
0x40: {  	s23 =	smov.u32 s25;
	[sflag:s14] =	ssyncset.done $0x0  }
0x41: {  	s22 =	sshra.s32 s22, $0x2;
	[sflag:s14] =	ssyncadd.s32 $0xFFFFC000  }
0x42: {  	[tilespmem:s16], [sflag:$0x1] =	stream.indirect.gather [hbm4b:s4+s17], $0x80, s22, s17, $0xb8;
	[tilespmem:$0x1D000] =	vst v63  }
0x43: {  	_ =	swait.ge [sflag:s14], $0x4000  }
0x44: {  	[sflag:s14] =	ssyncset.done $0x0  }
0x45: {  	s22 =	sadd.s32 $0x2800, s22;
	[sflag:s14] =	ssyncadd.s32 $0xFFFFC000  }
0x46: {  	[spmem:s2] =	stream.indirect.scatter.add.f32 [tilespmem:s16], [sflag:$0x1], $0x80, s22, s17, $0xb8;
	[tilespmem:$0x1D000] =	vst v63  }
0x47: {  	_ =	swait.ge [sflag:s14], $0x4000  }
0x48: {  	s21 =	sadd.s32 $0x1, s21;
	[sflag:s14] =	ssyncset.done $0x0  }
0x49: {  	p0 =	sne.s32 s21, s13;
	[sflag:s14] =	ssyncadd.s32 $0xFFFFC000  }
.Ltmp1:
0x4a: {  	[bflag:$0x0] =	sbarrier.arrive $0xFFFF;
	(pc) =	sbr.rel @p0 .LBB2_1-.Ltmp1, $4  }
0x4b: {  	[hbm:s18], [sflag:s19] =	dma.local [spmem:s20], $0x2800  }
0x4c: {  	_ =	swait.ge [sflag:s14], $0x2800  }
0x4d: {  	[sflag:s14] =	ssyncset.done $0x0  }
0x4e: {  	[sflag:s14] =	ssyncadd.s32 $0xFFFFD800  }
0x4f: {  	_ =	sfence.sel $0x180000  }
0x50: {  	[bflag:$0x0] =	sbarrier.arrive $0xFFFF  }
0x51: {  	p0 =	sne.s32 s1, $0x0;
	_ =	strace $0x90000047  }
0x52: {  	s0 =	sadd.s32 @!p0 $0x100000, s0;
	[bflag:$0x2] =	sbarrier.arrive $0xFFFF  }
0x53: {  	[sflag:s0] =	ssyncadd.tile.s32 @!p0 $0x1;
	_ =	shalt  }
.Lfunc_end2:
_tile_overlayer_lowered:
.L_overlay_start_2:
0x54: {  	(tag) =	ssettag $0x2  }
0x55: {  	s0 =	rddreg [dreg:$0x0];
	s2 =	stileid.u32  }
0x56: {  	s1 =	rddreg [dreg:$0x1];
	p0 =	sne.s32 s2, $0x0  }
0x57: {  	s3 =	rddreg [dreg:$0x2];
	[bflag:$0x3] =	sbarrier.arrive $0xFFFF;
	s2 =	simm.s32 @!p0 $0x1C01  }
0x58: {  	[timem:s3], [sflag:s2] =	dma.local @!p0 [hbm:s0], s1  }
0x59: {  	s0 =	simm.s32 @!p0 $0x1  }
0x5a: {  	_ =	swait.ge @!p0 [sflag:s0], s1  }
0x5b: {  	s1 =	ssub.s32 @!p0 $0x0, s1;
	[sflag:s0] =	ssyncset.done @!p0 $0x0  }
0x5c: {  	[sflag:s0] =	ssyncadd.s32 @!p0 s1  }
0x5d: {  	[bflag:$0x3] =	sbarrier.arrive $0xFFFF  }
0x5e: {  	_ =	shalt  }

// kernel: kernel.16.cloned.1.call-start
scs
__scs_entry_jumppad:
0x0: {  	(pc) =	sbr.rel $0x88, $3  }
0x1: {  	(tag) =	ssettag $0x0;
	lr =	simm.s32 $0x1  }
0x2: {  	[smem:$0x3F92] =	sst lr;
	_ =	strace $0xD0000000  }
0x3: {  	_ = 	snop  }
0x4: {  	_ = 	snop  }
0x5: {  	_ = 	snop  }
0x6: {  	_ = 	snop  }
0x7: {  	_ = 	snop  }
__scs_overlays_trampoline_lowered:
0x8: {  	[smem:$0x3FA1] =	sst s0  }
0x9: {  	[smem:$0x3FA2] =	sst s1  }
0xa: {  	[smem:$0x3FA3] =	sst s2  }
0xb: {  	[smem:$0x3FA4] =	sst s3  }
0xc: {  	[smem:$0x3FA5] =	sst s4  }
0xd: {  	[smem:$0x3FA6] =	sst s5  }
0xe: {  	[smem:$0x3FA7] =	sst s6  }
0xf: {  	[smem:$0x3FA8] =	sst s7  }
0x10: {  	[smem:$0x3FA9] =	sst s8  }
0x11: {  	[smem:$0x3FAA] =	sst s9;
	s0 =	simm.s32 @!p0 $0x0  }
0x12: {  	s1 =	sld [smem:$0x3F90];
	s0 =	simm.s32 @p0 $0x1  }
0x13: {  	[smem:$0x3FAB] =	sst s0;
	s0 =	simm.s32 @!p1 $0x0  }
0x14: {  	s2 =	sld [smem:$0x3F8F];
	s0 =	simm.s32 @p1 $0x1  }
0x15: {  	[smem:$0x3FAC] =	sst s0;
	s0 =	simm.s32 @!p2 $0x0  }
0x16: {  	s3 =	sld [smem:$0x3FDB];
	s0 =	simm.s32 @p2 $0x1  }
0x17: {  	s4 =	simm.s32 $0x1BF5;
	[smem:$0x3FAE] =	sst s0  }
0x18: {  	s0 =	sld [smem:$0x3F91];
	_ =	swait.ge [sflag:s4], $0x0  }
0x19: {  	s7 =	sld [smem:$0x3F92]  }
0x1a: {  	s8 =	sadd.s32 $0xFFFFE003, lr  }
0x1b: {  	s9 =	sadd.s32 $0xFFFFFEF7, lr;
	s5 =	simm.s32 $0xFFFFFFFF;
	p2 =	slt.u32 s8, $0xFFFFF086  }
0x1c: {  	p1 =	slt.u32 s9, $0xF7A;
	s5 =	simm.s32 @!p2 $0x0  }
0x1d: {  	s5 =	simm.s32 @p1 $0x1;
	p0 =	seq.s32 s7, s2  }
0x1e: {  	s7 =	smul.u32 @!p0 $0xF7A, s2;
	p2 =	seq.s32 @!p0 s5, $0x0  }
0x1f: {  	s9 =	smul.u32 $0xF7A, s1;
	s8 =	simm.s32 @!p0 $0x1BF5;
	p2 =	por !p2, p0  }
0x20: {  	[sflag:s8] =	ssyncset.s32 @!p0 $0xFFFFF086;
	s6 =	sadd.s32 @!p0 s3, s7;
	s7 =	simm.s32 @!p0 $0x108  }
0x21: {  	s3 =	sadd.s32 s3, s9;
	s6 =	sadd.s32 @!p0 $0x88, s6;
	s7 =	simm.s32 @p2 $0x1082  }
0x22: {  	[simem:s7], [sflag:s8] =	dma.local @!p0 [hbm:s6], $0xF7A  }
0x23: {  	s9 =	sor.u32 $0xD0000000, s2;
	s6 =	simm.s32 $0x108;
	_ =	swait.ge @!p0 [sflag:s8], $0x0  }
0x24: {  	s3 =	sadd.s32 $0x88, s3;
	s6 =	simm.s32 @!p1 $0x1082;
	[sflag:s4] =	ssyncset.s32 $0xFFFFF086  }
0x25: {  	[simem:s6], [sflag:s4] =	dma.local [hbm:s3], $0xF7A  }
0x26: {  	[smem:$0x3F92] =	sst s1;
	(tag) =	ssettag s2;
	_ =	strace s9  }
0x27: {  	s1 =	sld [smem:$0x3FA2]  }
0x28: {  	s2 =	sld [smem:$0x3FA3]  }
0x29: {  	s4 =	sld [smem:$0x3FA5]  }
0x2a: {  	p0 =	seq.s32 s5, $0x0;
	s5 =	sld [smem:$0x3FA6]  }
0x2b: {  	s6 =	sld [smem:$0x3FA7]  }
0x2c: {  	s7 =	sld [smem:$0x3FA8]  }
0x2d: {  	s3 =	simm.s32 $0x108;
	s8 =	sld [smem:$0x3FA9]  }
0x2e: {  	s3 =	simm.s32 @!p0 $0x1082;
	s9 =	sld [smem:$0x3FAA]  }
0x2f: {  	lr =	sadd.s32 s0, s3;
	s0 =	sld [smem:$0x3FA1]  }
0x30: {  	s3 =	sld [smem:$0x3FA4]  }
0x31: {  	[smem:$0x3FAD] =	sst s10  }
0x32: {  	s10 =	sld [smem:$0x3FAB];
	_ =	sdelay $0x3  }
0x33: {  	p0 =	seq.s32 s10, $0x1;
	s10 =	sld [smem:$0x3FAD];
	_ =	sdelay $0x3  }
0x34: {  	[smem:$0x3FAD] =	sst s10  }
0x35: {  	s10 =	sld [smem:$0x3FAC];
	_ =	sdelay $0x3  }
0x36: {  	p1 =	seq.s32 s10, $0x1;
	s10 =	sld [smem:$0x3FAD];
	_ =	sdelay $0x3  }
0x37: {  	[smem:$0x3FAD] =	sst s10  }
0x38: {  	s10 =	sld [smem:$0x3FAE]  }
0x39: {  	_ = 	snop;
	(pc) =	sbr.ind lr, $3  }
0x3a: {  	_ = 	snop  }
0x3b: {  	_ = 	snop  }
0x3c: {  	p2 =	seq.s32 s10, $0x1;
	s10 =	sld [smem:$0x3FAD]  }
0x3d: {  	_ =	shalt  }
0x3e: {  	_ =	shalt  }
0x3f: {  	_ =	shalt  }
0x40: {  	_ =	shalt  }
0x41: {  	_ =	shalt  }
0x42: {  	_ =	shalt  }
0x43: {  	_ =	shalt  }
0x44: {  	_ =	shalt  }
0x45: {  	_ =	shalt  }
0x46: {  	_ =	shalt  }
0x47: {  	_ =	shalt  }
0x48: {  	_ =	shalt  }
0x49: {  	_ =	shalt  }
0x4a: {  	_ =	shalt  }
0x4b: {  	_ =	shalt  }
0x4c: {  	_ =	shalt  }
0x4d: {  	_ =	shalt  }
0x4e: {  	_ =	shalt  }
0x4f: {  	_ =	shalt  }
0x50: {  	_ =	shalt  }
0x51: {  	_ =	shalt  }
0x52: {  	_ =	shalt  }
0x53: {  	_ =	shalt  }
0x54: {  	_ =	shalt  }
0x55: {  	_ =	shalt  }
0x56: {  	_ =	shalt  }
0x57: {  	_ =	shalt  }
0x58: {  	_ =	shalt  }
0x59: {  	_ =	shalt  }
0x5a: {  	_ =	shalt  }
0x5b: {  	_ =	shalt  }
0x5c: {  	_ =	shalt  }
0x5d: {  	_ =	shalt  }
0x5e: {  	_ =	shalt  }
0x5f: {  	_ =	shalt  }
0x60: {  	_ =	shalt  }
0x61: {  	_ =	shalt  }
0x62: {  	_ =	shalt  }
0x63: {  	_ =	shalt  }
0x64: {  	_ =	shalt  }
0x65: {  	_ =	shalt  }
0x66: {  	_ =	shalt  }
0x67: {  	_ =	shalt  }
0x68: {  	_ =	shalt  }
0x69: {  	_ =	shalt  }
0x6a: {  	_ =	shalt  }
0x6b: {  	_ =	shalt  }
0x6c: {  	_ =	shalt  }
0x6d: {  	_ =	shalt  }
0x6e: {  	_ =	shalt  }
0x6f: {  	_ =	shalt  }
0x70: {  	_ =	shalt  }
0x71: {  	_ =	shalt  }
0x72: {  	_ =	shalt  }
0x73: {  	_ =	shalt  }
0x74: {  	_ =	shalt  }
0x75: {  	_ =	shalt  }
0x76: {  	_ =	shalt  }
0x77: {  	_ =	shalt  }
0x78: {  	_ =	shalt  }
0x79: {  	_ =	shalt  }
0x7a: {  	_ =	shalt  }
0x7b: {  	_ =	shalt  }
0x7c: {  	_ =	shalt  }
0x7d: {  	_ =	shalt  }
0x7e: {  	_ =	shalt  }
0x7f: {  	_ =	shalt  }
0x80: {  	_ =	shalt  }
0x81: {  	_ =	shalt  }
0x82: {  	_ =	shalt  }
0x83: {  	_ =	shalt  }
0x84: {  	_ =	shalt  }
0x85: {  	_ =	shalt  }
0x86: {  	_ =	shalt  }
0x87: {  	_ =	shalt  }
.Lfunc_end0:
.L_simem_size_0:
called_computation.2_lowered:
.L_overlay_start_0:
0x88: {  	s2 =	sld [smem:$0x3FD9]  }
0x89: {  	s3 =	sld [smem:$0x3FFE];
	_ =	sdelay $0x1  }
0x8a: {  	s1 =	srdreg.scid  }
0x8b: {  	s0 =	sand.u32 $0x1, s1  }
0x8c: {  	s17 =	sshll.u32 s0, $0xA;
	s2 =	sadd.s32 s3, s2  }
0x8d: {  	s2 =	sadd.s32 s2, s17  }
0x8e: {  	[smem:$0x3FB9] =	sst s2  }
0x8f: {  	_ = 	snop  }
0x90: {  	s2 =	sld [smem:$0x3FD0];
	(tm) =	ssettm $0x1  }
0x91: {  	s18 =	sld [smem:$0x3FFB];
	_ =	sdelay $0x3  }
0x92: {  	_ =	strace s18  }
0x93: {  	s3 =	sld [smem:$0x3FFC];
	_ =	sdelay $0x3  }
0x94: {  	_ =	strace s3  }
0x95: {  	s3 =	sld [smem:$0x3FFD];
	_ =	sdelay $0x3  }
0x96: {  	_ =	strace s3  }
0x97: {  	_ =	strace $0x8FFFFFFF  }
0x98: {  	s19 =	sld [smem:$0x3FDB];
	_ =	sdelay $0x1  }
0x99: {  	s4 =	simm.s32 $_scs_section_size  }
0x9a: {  	s5 =	simm.s32 $_size__tile_overlayer_lowered;
	s6 =	simm.s32 $_tile_overlayer_lowered  }
0x9b: {  	s22 =	simm.s32 $0x1BFF;
	s21 =	sshll.u32 s6, $0x1;
	s3 =	sadd.s32 s4, s19  }
0x9c: {  	s7 =	simm.s32 $0x0;
	s20 =	sshll.u32 s5, $0x1;
	s5 =	sadd.s32 s21, s3  }
0x9d: {  	[timem:s7], [sflag:s22] =	dma.local [hbm:s5], s20  }
0x9e: {  	_ =	swait.ge [sflag:s22], s20  }
0x9f: {  	s4 =	ssub.s32 $0x0, s20;
	[sflag:s22] =	ssyncset.done $0x0  }
0xa0: {  	[sflag:s22] =	ssyncadd.s32 s4;
	_ =	sdelay $0x1  }
0xa1: {  	s23 =	simm.s32 $0x1B8B  }
0xa2: {  	_ =	swait.ge [sflag:s23], $0x1  }
0xa3: {  	[sflag:s23] =	ssyncset.done $0x0  }
0xa4: {  	s25 =	simm.s32 $0x1B8E;
	s24 =	sld [smem:$0x3FFE];
	[sflag:s23] =	ssyncadd.s32 $0xFFFFFFFF  }
0xa5: {  	s26 =	simm.s32 $execute0_lowered;
	[smem:$0x3FD2] =	sst s25  }
0xa6: {  	s5 =	sshll.u32 s26, $0x1;
	_ =	strace $0x8000004C;
	[dreg:$0x1] =	wrdreg $0xFFFFFFFF  }
0xa7: {  	s28 =	simm.s32 $_size_execute0_lowered;
	s3 =	sadd.s32 s3, s5;
	[dreg:$0x0] =	wrdreg $0x0  }
0xa8: {  	s5 =	sshll.u32 s28, $0x1;
	[dreg:$0x2] =	wrdreg s3  }
0xa9: {  	[dreg:$0x3] =	wrdreg s5  }
0xaa: {  	[dreg:$0x4] =	wrdreg $0xC0  }
0xab: {  	_ =	task [dreg:s7], $0x5FFFF  }
0xac: {  	[dreg:$0x1] =	wrdreg $0xFFFFFFFF  }
0xad: {  	[dreg:$0x0] =	wrdreg $0x60  }
0xae: {  	[dreg:$0x2] =	wrdreg s24  }
0xaf: {  	[dreg:$0x3] =	wrdreg s2  }
0xb0: {  	[dreg:$0x4] =	wrdreg $0x90000  }
0xb1: {  	[dreg:$0x5] =	wrdreg $0x9  }
0xb2: {  	_ =	task.clear_ibuf [dreg:s7], $0x6FFFF;
	_ =	strace $0x9000004C  }
0xb3: {  	s29 =	simm.s32 $0x9;
	_ =	strace $0x8000004E  }
0xb4: {  	_ =	swait.ge [sflag:s29], $0x1  }
0xb5: {  	[sflag:s29] =	ssyncadd.s32 $0xFFFFFFFF  }
0xb6: {  	_ =	strace $0x9000004E  }
0xb7: {  	_ =	sfence  }
0xb8: {  	s30 =	sld [smem:$0x0];
	_ =	sdelay $0x2  }
0xb9: {  	s31 =	sshll.u32 s1, $0xD;
	s1 =	sshrl.u32 s1, $0x2  }
0xba: {  	s3 =	sand.u32 $0x4000, s31;
	s1 =	sadd.s32 s1, s30  }
0xbb: {  	s0 =	sor.u32 s3, s0;
	s1 =	sshll.u32 s1, $0x11  }
0xbc: {  	s0 =	sor.u32 s1, s0  }
0xbd: {  	s0 =	sadd.s32 $0x8F2B, s0  }
0xbe: {  	[sflag:s0] =	ssyncadd.remote.s32 $0x1  }
0xbf: {  	_ =	sfence.sel $0xFFFF  }
0xc0: {  	[dreg:$0x0] =	wrdreg $0xFFFFFFFF;
	(pc) =	sbr.abs _section_cstart, $3  }
0xc1: {  	[dreg:$0x1] =	wrdreg $0xFFFFFFFF  }
0xc2: {  	_ =	task.clear_ibuf [dreg:s7], $0x2FFFF;
	_ =	strace $0x9FFFFFFF  }
0xc3: {  	(tm) =	ssettm $0x7FFFFFFF  }
tec
execute0_lowered:
.L_overlay_start_1:
0x0: {  	(tag) =	ssettag $0x1  }
0x1: {  	s6 =	rddreg [dreg:$0x0]  }
0x2: {  	s0 =	srdreg.scid;
	s7 =	rddreg [dreg:$0x1]  }
0x3: {  	s2 =	rddreg [dreg:$0x2];
	s1 =	stileid.u32;
	s3 =	simm.s32 $0x0  }
0x4: {  	s15 =	simm.s32 $0x2800;
	s16 =	simm.s32 $0x5000;
	s17 =	simm.s32 $0x80  }
0x5: {  	s5 =	sand.u32 $0x1, s0;
	s0 =	rddreg [dreg:$0x3];
	s9 =	smul.u32 $0x50000, s1  }
0x6: {  	s21 =	simm.s32 $0x0;
	[smem:$0x7FF] =	sst s3;
	s19 =	smul.u32 $0x2800, s1  }
0x7: {  	s31 =	sshll.u32 s1, $0x6;
	s4 =	sshll.u32 s5, $0x4;
	_ =	strace $0x8000004D  }
0x8: {  	s11 =	smul.u32 $0x28000, s5;
	s12 =	ssub.s32 $0x2, s5;
	s5 =	sadd.s32 $0x34800, s6  }
0x9: {  	s4 =	sor.u32 s1, s4;
	s13 =	sshrl.u32 s12, $0x1;
	s9 =	sshrl.u32 s9, $0x2  }
0xa: {  	s8 =	smul.u32 $0x500, s4;
	s14 =	sadd.s32 s11, s6;
	s13 =	ssub.s32 s12, s13  }
0xb: {  	s4 =	sadd.s32 $0xD600, s6;
	s18 =	sadd.s32 $0x35000, s14;
	s13 =	smax.u32 s13, $0x1  }
0xc: {  	s14 =	simm.s32 $0x1;
	s10 =	sadd.s32 s8, s6;
	s6 =	sadd.s32 s9, s2  }
0xd: {  	s7 =	sadd.s32 s7, s8;
	s18 =	sadd.s32 s19, s18;
	s19 =	sor.u32 $0x1C01, s31  }
0xe: {  	s8 =	sadd.s32 $0x3600, s10;
	s9 =	sadd.s32 $0x4000, s6;
	s10 =	sadd.s32 $0x8000, s6  }
0xf: {  	s11 =	sadd.s32 $0xC000, s6;
	s12 =	sadd.s32 $0x10000, s6;
	s20 =	sshrl.u32 s6, $0x3  }
.LBB2_1:
0x10: {  	[tilespmem:s3], [sflag:$0x1] =	stream.linear.gather [hbm4b:s7+s3], $0x2780, $0x38;
	[tilespmem:$0x1D000] =	vst v63  }
0x11: {  	_ =	swait.ge [sflag:s14], $0x2780  }
0x12: {  	[sflag:s14] =	ssyncset.done $0x0  }
0x13: {  	[sflag:s14] =	ssyncadd.s32 $0xFFFFD880  }
0x14: {  	[tilespmem:s15], [sflag:$0x1] =	stream.linear.gather [hbm4b:s8+s3], $0x2780, $0x38;
	[tilespmem:$0x1D000] =	vst v63  }
0x15: {  	_ =	swait.ge [sflag:s14], $0x2780  }
0x16: {  	[sflag:s14] =	ssyncset.done $0x0  }
0x17: {  	[sflag:s14] =	ssyncadd.s32 $0xFFFFD880  }
0x18: {  	[tilespmem:s16], [sflag:$0x1] =	stream.linear.gather [hbm4b:s5+s3], $0x4000, $0x38;
	[tilespmem:$0x1D000] =	vst v63  }
0x19: {  	_ =	swait.ge [sflag:s14], $0x4000  }
0x1a: {  	[sflag:s14] =	ssyncset.done $0x0  }
0x1b: {  	[sflag:s14] =	ssyncadd.s32 $0xFFFFC000  }
0x1c: {  	[spmem:s6] =	stream.linear.scatter [tilespmem:s16], [sflag:$0x1], $0x4000, $0x38;
	[tilespmem:$0x1D000] =	vst v63  }
0x1d: {  	_ =	swait.ge [sflag:s14], $0x4000  }
0x1e: {  	[sflag:s14] =	ssyncset.done $0x0  }
0x1f: {  	[sflag:s14] =	ssyncadd.s32 $0xFFFFC000  }
0x20: {  	[spmem:s9] =	stream.linear.scatter [tilespmem:s16], [sflag:$0x1], $0x4000, $0x38;
	[tilespmem:$0x1D000] =	vst v63  }
0x21: {  	_ =	swait.ge [sflag:s14], $0x4000  }
0x22: {  	[sflag:s14] =	ssyncset.done $0x0  }
0x23: {  	[sflag:s14] =	ssyncadd.s32 $0xFFFFC000  }
0x24: {  	[spmem:s10] =	stream.linear.scatter [tilespmem:s16], [sflag:$0x1], $0x4000, $0x38;
	[tilespmem:$0x1D000] =	vst v63  }
0x25: {  	_ =	swait.ge [sflag:s14], $0x4000  }
0x26: {  	[sflag:s14] =	ssyncset.done $0x0  }
0x27: {  	[sflag:s14] =	ssyncadd.s32 $0xFFFFC000  }
0x28: {  	[spmem:s11] =	stream.linear.scatter [tilespmem:s16], [sflag:$0x1], $0x4000, $0x38;
	[tilespmem:$0x1D000] =	vst v63  }
0x29: {  	_ =	swait.ge [sflag:s14], $0x4000  }
0x2a: {  	[sflag:s14] =	ssyncset.done $0x0  }
0x2b: {  	[sflag:s14] =	ssyncadd.s32 $0xFFFFC000  }
0x2c: {  	[spmem:s12] =	stream.linear.scatter [tilespmem:s16], [sflag:$0x1], $0x4000, $0x38;
	[tilespmem:$0x1D000] =	vst v63  }
0x2d: {  	_ =	swait.ge [sflag:s14], $0x4000  }
0x2e: {  	[sflag:s14] =	ssyncset.done $0x0  }
0x2f: {  	[sflag:s14] =	ssyncadd.s32 $0xFFFFC000  }
0x30: {  	s22 =	simm.s32 $0x0;
	[bflag:$0x0] =	sbarrier.arrive $0xFFFF  }
0x31: {  	[tilespmem:s16], [sflag:$0x1] =	stream.indirect.gather [hbm4b:s4+s17], $0x80, s22, s17, $0xb8;
	[tilespmem:$0x1D000] =	vst v63  }
0x32: {  	_ =	swait.ge [sflag:s14], $0x4000  }
0x33: {  	[sflag:s14] =	ssyncset.done $0x0  }
0x34: {  	s31 =	simm.s32 $0x2800;
	[sflag:s14] =	ssyncadd.s32 $0xFFFFC000  }
0x35: {  	[spmem:s2] =	stream.indirect.scatter.add.f32 [tilespmem:s16], [sflag:$0x1], $0x80, s31, s17, $0xb8;
	[tilespmem:$0x1D000] =	vst v63  }
0x36: {  	_ =	swait.ge [sflag:s14], $0x4000  }
0x37: {  	s23 =	simm.s32 $0x400;
	s22 =	simm.s32 $0x200;
	[sflag:s14] =	ssyncset.done $0x0  }
.LBB2_2:
0x38: {  	s24 =	sshra.s32 s22, $0x2  }
0x39: {  	[sflag:s14] =	ssyncadd.s32 $0xFFFFC000;
	s22 =	smov.u32 s23;
	s25 =	sadd.s32 $0x200, s23  }
0x3a: {  	[tilespmem:s16], [sflag:$0x1] =	stream.indirect.gather [hbm4b:s4+s17], $0x80, s24, s17, $0xb8;
	[tilespmem:$0x1D000] =	vst v63  }
0x3b: {  	p0 =	sne.s32 s23, $0x9C00;
	_ =	swait.ge [sflag:s14], $0x4000  }
.Ltmp0:
0x3c: {  	[sflag:s14] =	ssyncset.done $0x0;
	(pc) =	sbr.rel @p0 .LBB2_2-.Ltmp0, $4  }
0x3d: {  	s23 =	sadd.s32 $0x2800, s24;
	[sflag:s14] =	ssyncadd.s32 $0xFFFFC000  }
0x3e: {  	[spmem:s2] =	stream.indirect.scatter.add.f32 [tilespmem:s16], [sflag:$0x1], $0x80, s23, s17, $0xb8;
	[tilespmem:$0x1D000] =	vst v63  }
0x3f: {  	_ =	swait.ge [sflag:s14], $0x4000  }
0x40: {  	s23 =	smov.u32 s25;
	[sflag:s14] =	ssyncset.done $0x0  }
0x41: {  	s22 =	sshra.s32 s22, $0x2;
	[sflag:s14] =	ssyncadd.s32 $0xFFFFC000  }
0x42: {  	[tilespmem:s16], [sflag:$0x1] =	stream.indirect.gather [hbm4b:s4+s17], $0x80, s22, s17, $0xb8;
	[tilespmem:$0x1D000] =	vst v63  }
0x43: {  	_ =	swait.ge [sflag:s14], $0x4000  }
0x44: {  	[sflag:s14] =	ssyncset.done $0x0  }
0x45: {  	s22 =	sadd.s32 $0x2800, s22;
	[sflag:s14] =	ssyncadd.s32 $0xFFFFC000  }
0x46: {  	[spmem:s2] =	stream.indirect.scatter.add.f32 [tilespmem:s16], [sflag:$0x1], $0x80, s22, s17, $0xb8;
	[tilespmem:$0x1D000] =	vst v63  }
0x47: {  	_ =	swait.ge [sflag:s14], $0x4000  }
0x48: {  	s21 =	sadd.s32 $0x1, s21;
	[sflag:s14] =	ssyncset.done $0x0  }
0x49: {  	p0 =	sne.s32 s21, s13;
	[sflag:s14] =	ssyncadd.s32 $0xFFFFC000  }
.Ltmp1:
0x4a: {  	[bflag:$0x0] =	sbarrier.arrive $0xFFFF;
	(pc) =	sbr.rel @p0 .LBB2_1-.Ltmp1, $4  }
0x4b: {  	[hbm:s18], [sflag:s19] =	dma.local [spmem:s20], $0x2800  }
0x4c: {  	_ =	swait.ge [sflag:s14], $0x2800  }
0x4d: {  	[sflag:s14] =	ssyncset.done $0x0  }
0x4e: {  	[sflag:s14] =	ssyncadd.s32 $0xFFFFD800  }
0x4f: {  	_ =	sfence.sel $0x180000  }
0x50: {  	[bflag:$0x0] =	sbarrier.arrive $0xFFFF  }
0x51: {  	p0 =	sne.s32 s1, $0x0;
	_ =	strace $0x9000004D  }
0x52: {  	s0 =	sadd.s32 @!p0 $0x100000, s0;
	[bflag:$0x2] =	sbarrier.arrive $0xFFFF  }
0x53: {  	[sflag:s0] =	ssyncadd.tile.s32 @!p0 $0x1;
	_ =	shalt  }
.Lfunc_end2:
_tile_overlayer_lowered:
.L_overlay_start_2:
0x54: {  	(tag) =	ssettag $0x2  }
0x55: {  	s0 =	rddreg [dreg:$0x0];
	s2 =	stileid.u32  }
0x56: {  	s1 =	rddreg [dreg:$0x1];
	p0 =	sne.s32 s2, $0x0  }
0x57: {  	s3 =	rddreg [dreg:$0x2];
	[bflag:$0x3] =	sbarrier.arrive $0xFFFF;
	s2 =	simm.s32 @!p0 $0x1C01  }
0x58: {  	[timem:s3], [sflag:s2] =	dma.local @!p0 [hbm:s0], s1  }
0x59: {  	s0 =	simm.s32 @!p0 $0x1  }
0x5a: {  	_ =	swait.ge @!p0 [sflag:s0], s1  }
0x5b: {  	s1 =	ssub.s32 @!p0 $0x0, s1;
	[sflag:s0] =	ssyncset.done @!p0 $0x0  }
0x5c: {  	[sflag:s0] =	ssyncadd.s32 @!p0 s1  }
0x5d: {  	[bflag:$0x3] =	sbarrier.arrive $0xFFFF  }
0x5e: {  	_ =	shalt  }

// kernel: kernel.19.cloned.1.call-start
scs
__scs_entry_jumppad:
0x0: {  	(pc) =	sbr.rel $0x88, $3  }
0x1: {  	(tag) =	ssettag $0x0;
	lr =	simm.s32 $0x1  }
0x2: {  	[smem:$0x3F92] =	sst lr;
	_ =	strace $0xD0000000  }
0x3: {  	_ = 	snop  }
0x4: {  	_ = 	snop  }
0x5: {  	_ = 	snop  }
0x6: {  	_ = 	snop  }
0x7: {  	_ = 	snop  }
__scs_overlays_trampoline_lowered:
0x8: {  	[smem:$0x3FA1] =	sst s0  }
0x9: {  	[smem:$0x3FA2] =	sst s1  }
0xa: {  	[smem:$0x3FA3] =	sst s2  }
0xb: {  	[smem:$0x3FA4] =	sst s3  }
0xc: {  	[smem:$0x3FA5] =	sst s4  }
0xd: {  	[smem:$0x3FA6] =	sst s5  }
0xe: {  	[smem:$0x3FA7] =	sst s6  }
0xf: {  	[smem:$0x3FA8] =	sst s7  }
0x10: {  	[smem:$0x3FA9] =	sst s8  }
0x11: {  	[smem:$0x3FAA] =	sst s9;
	s0 =	simm.s32 @!p0 $0x0  }
0x12: {  	s1 =	sld [smem:$0x3F90];
	s0 =	simm.s32 @p0 $0x1  }
0x13: {  	[smem:$0x3FAB] =	sst s0;
	s0 =	simm.s32 @!p1 $0x0  }
0x14: {  	s2 =	sld [smem:$0x3F8F];
	s0 =	simm.s32 @p1 $0x1  }
0x15: {  	[smem:$0x3FAC] =	sst s0;
	s0 =	simm.s32 @!p2 $0x0  }
0x16: {  	s3 =	sld [smem:$0x3FDB];
	s0 =	simm.s32 @p2 $0x1  }
0x17: {  	s4 =	simm.s32 $0x1BF5;
	[smem:$0x3FAE] =	sst s0  }
0x18: {  	s0 =	sld [smem:$0x3F91];
	_ =	swait.ge [sflag:s4], $0x0  }
0x19: {  	s7 =	sld [smem:$0x3F92]  }
0x1a: {  	s8 =	sadd.s32 $0xFFFFE003, lr  }
0x1b: {  	s9 =	sadd.s32 $0xFFFFFEF7, lr;
	s5 =	simm.s32 $0xFFFFFFFF;
	p2 =	slt.u32 s8, $0xFFFFF086  }
0x1c: {  	p1 =	slt.u32 s9, $0xF7A;
	s5 =	simm.s32 @!p2 $0x0  }
0x1d: {  	s5 =	simm.s32 @p1 $0x1;
	p0 =	seq.s32 s7, s2  }
0x1e: {  	s7 =	smul.u32 @!p0 $0xF7A, s2;
	p2 =	seq.s32 @!p0 s5, $0x0  }
0x1f: {  	s9 =	smul.u32 $0xF7A, s1;
	s8 =	simm.s32 @!p0 $0x1BF5;
	p2 =	por !p2, p0  }
0x20: {  	[sflag:s8] =	ssyncset.s32 @!p0 $0xFFFFF086;
	s6 =	sadd.s32 @!p0 s3, s7;
	s7 =	simm.s32 @!p0 $0x108  }
0x21: {  	s3 =	sadd.s32 s3, s9;
	s6 =	sadd.s32 @!p0 $0x88, s6;
	s7 =	simm.s32 @p2 $0x1082  }
0x22: {  	[simem:s7], [sflag:s8] =	dma.local @!p0 [hbm:s6], $0xF7A  }
0x23: {  	s9 =	sor.u32 $0xD0000000, s2;
	s6 =	simm.s32 $0x108;
	_ =	swait.ge @!p0 [sflag:s8], $0x0  }
0x24: {  	s3 =	sadd.s32 $0x88, s3;
	s6 =	simm.s32 @!p1 $0x1082;
	[sflag:s4] =	ssyncset.s32 $0xFFFFF086  }
0x25: {  	[simem:s6], [sflag:s4] =	dma.local [hbm:s3], $0xF7A  }
0x26: {  	[smem:$0x3F92] =	sst s1;
	(tag) =	ssettag s2;
	_ =	strace s9  }
0x27: {  	s1 =	sld [smem:$0x3FA2]  }
0x28: {  	s2 =	sld [smem:$0x3FA3]  }
0x29: {  	s4 =	sld [smem:$0x3FA5]  }
0x2a: {  	p0 =	seq.s32 s5, $0x0;
	s5 =	sld [smem:$0x3FA6]  }
0x2b: {  	s6 =	sld [smem:$0x3FA7]  }
0x2c: {  	s7 =	sld [smem:$0x3FA8]  }
0x2d: {  	s3 =	simm.s32 $0x108;
	s8 =	sld [smem:$0x3FA9]  }
0x2e: {  	s3 =	simm.s32 @!p0 $0x1082;
	s9 =	sld [smem:$0x3FAA]  }
0x2f: {  	lr =	sadd.s32 s0, s3;
	s0 =	sld [smem:$0x3FA1]  }
0x30: {  	s3 =	sld [smem:$0x3FA4]  }
0x31: {  	[smem:$0x3FAD] =	sst s10  }
0x32: {  	s10 =	sld [smem:$0x3FAB];
	_ =	sdelay $0x3  }
0x33: {  	p0 =	seq.s32 s10, $0x1;
	s10 =	sld [smem:$0x3FAD];
	_ =	sdelay $0x3  }
0x34: {  	[smem:$0x3FAD] =	sst s10  }
0x35: {  	s10 =	sld [smem:$0x3FAC];
	_ =	sdelay $0x3  }
0x36: {  	p1 =	seq.s32 s10, $0x1;
	s10 =	sld [smem:$0x3FAD];
	_ =	sdelay $0x3  }
0x37: {  	[smem:$0x3FAD] =	sst s10  }
0x38: {  	s10 =	sld [smem:$0x3FAE]  }
0x39: {  	_ = 	snop;
	(pc) =	sbr.ind lr, $3  }
0x3a: {  	_ = 	snop  }
0x3b: {  	_ = 	snop  }
0x3c: {  	p2 =	seq.s32 s10, $0x1;
	s10 =	sld [smem:$0x3FAD]  }
0x3d: {  	_ =	shalt  }
0x3e: {  	_ =	shalt  }
0x3f: {  	_ =	shalt  }
0x40: {  	_ =	shalt  }
0x41: {  	_ =	shalt  }
0x42: {  	_ =	shalt  }
0x43: {  	_ =	shalt  }
0x44: {  	_ =	shalt  }
0x45: {  	_ =	shalt  }
0x46: {  	_ =	shalt  }
0x47: {  	_ =	shalt  }
0x48: {  	_ =	shalt  }
0x49: {  	_ =	shalt  }
0x4a: {  	_ =	shalt  }
0x4b: {  	_ =	shalt  }
0x4c: {  	_ =	shalt  }
0x4d: {  	_ =	shalt  }
0x4e: {  	_ =	shalt  }
0x4f: {  	_ =	shalt  }
0x50: {  	_ =	shalt  }
0x51: {  	_ =	shalt  }
0x52: {  	_ =	shalt  }
0x53: {  	_ =	shalt  }
0x54: {  	_ =	shalt  }
0x55: {  	_ =	shalt  }
0x56: {  	_ =	shalt  }
0x57: {  	_ =	shalt  }
0x58: {  	_ =	shalt  }
0x59: {  	_ =	shalt  }
0x5a: {  	_ =	shalt  }
0x5b: {  	_ =	shalt  }
0x5c: {  	_ =	shalt  }
0x5d: {  	_ =	shalt  }
0x5e: {  	_ =	shalt  }
0x5f: {  	_ =	shalt  }
0x60: {  	_ =	shalt  }
0x61: {  	_ =	shalt  }
0x62: {  	_ =	shalt  }
0x63: {  	_ =	shalt  }
0x64: {  	_ =	shalt  }
0x65: {  	_ =	shalt  }
0x66: {  	_ =	shalt  }
0x67: {  	_ =	shalt  }
0x68: {  	_ =	shalt  }
0x69: {  	_ =	shalt  }
0x6a: {  	_ =	shalt  }
0x6b: {  	_ =	shalt  }
0x6c: {  	_ =	shalt  }
0x6d: {  	_ =	shalt  }
0x6e: {  	_ =	shalt  }
0x6f: {  	_ =	shalt  }
0x70: {  	_ =	shalt  }
0x71: {  	_ =	shalt  }
0x72: {  	_ =	shalt  }
0x73: {  	_ =	shalt  }
0x74: {  	_ =	shalt  }
0x75: {  	_ =	shalt  }
0x76: {  	_ =	shalt  }
0x77: {  	_ =	shalt  }
0x78: {  	_ =	shalt  }
0x79: {  	_ =	shalt  }
0x7a: {  	_ =	shalt  }
0x7b: {  	_ =	shalt  }
0x7c: {  	_ =	shalt  }
0x7d: {  	_ =	shalt  }
0x7e: {  	_ =	shalt  }
0x7f: {  	_ =	shalt  }
0x80: {  	_ =	shalt  }
0x81: {  	_ =	shalt  }
0x82: {  	_ =	shalt  }
0x83: {  	_ =	shalt  }
0x84: {  	_ =	shalt  }
0x85: {  	_ =	shalt  }
0x86: {  	_ =	shalt  }
0x87: {  	_ =	shalt  }
.Lfunc_end0:
.L_simem_size_0:
called_computation.3_lowered:
.L_overlay_start_0:
0x88: {  	s2 =	sld [smem:$0x3FD9]  }
0x89: {  	s3 =	sld [smem:$0x3FFE];
	_ =	sdelay $0x1  }
0x8a: {  	s1 =	srdreg.scid  }
0x8b: {  	s0 =	sand.u32 $0x1, s1  }
0x8c: {  	s17 =	sshll.u32 s0, $0xA;
	s2 =	sadd.s32 s3, s2  }
0x8d: {  	s2 =	sadd.s32 s2, s17  }
0x8e: {  	[smem:$0x3FB9] =	sst s2  }
0x8f: {  	_ = 	snop  }
0x90: {  	s2 =	sld [smem:$0x3FD0];
	(tm) =	ssettm $0x1  }
0x91: {  	s18 =	sld [smem:$0x3FFB];
	_ =	sdelay $0x3  }
0x92: {  	_ =	strace s18  }
0x93: {  	s3 =	sld [smem:$0x3FFC];
	_ =	sdelay $0x3  }
0x94: {  	_ =	strace s3  }
0x95: {  	s3 =	sld [smem:$0x3FFD];
	_ =	sdelay $0x3  }
0x96: {  	_ =	strace s3  }
0x97: {  	_ =	strace $0x8FFFFFFF  }
0x98: {  	s19 =	sld [smem:$0x3FDB];
	_ =	sdelay $0x1  }
0x99: {  	s4 =	simm.s32 $_scs_section_size  }
0x9a: {  	s5 =	simm.s32 $_size__tile_overlayer_lowered;
	s6 =	simm.s32 $_tile_overlayer_lowered  }
0x9b: {  	s22 =	simm.s32 $0x1BFF;
	s21 =	sshll.u32 s6, $0x1;
	s3 =	sadd.s32 s4, s19  }
0x9c: {  	s7 =	simm.s32 $0x0;
	s20 =	sshll.u32 s5, $0x1;
	s5 =	sadd.s32 s21, s3  }
0x9d: {  	[timem:s7], [sflag:s22] =	dma.local [hbm:s5], s20  }
0x9e: {  	_ =	swait.ge [sflag:s22], s20  }
0x9f: {  	s4 =	ssub.s32 $0x0, s20;
	[sflag:s22] =	ssyncset.done $0x0  }
0xa0: {  	[sflag:s22] =	ssyncadd.s32 s4;
	_ =	sdelay $0x1  }
0xa1: {  	s23 =	simm.s32 $0x1B8B  }
0xa2: {  	_ =	swait.ge [sflag:s23], $0x1  }
0xa3: {  	[sflag:s23] =	ssyncset.done $0x0  }
0xa4: {  	s25 =	simm.s32 $0x1B8E;
	s24 =	sld [smem:$0x3FFE];
	[sflag:s23] =	ssyncadd.s32 $0xFFFFFFFF  }
0xa5: {  	s26 =	simm.s32 $execute0_lowered;
	[smem:$0x3FD2] =	sst s25  }
0xa6: {  	s5 =	sshll.u32 s26, $0x1;
	_ =	strace $0x8000004F;
	[dreg:$0x1] =	wrdreg $0xFFFFFFFF  }
0xa7: {  	s28 =	simm.s32 $_size_execute0_lowered;
	s3 =	sadd.s32 s3, s5;
	[dreg:$0x0] =	wrdreg $0x0  }
0xa8: {  	s5 =	sshll.u32 s28, $0x1;
	[dreg:$0x2] =	wrdreg s3  }
0xa9: {  	[dreg:$0x3] =	wrdreg s5  }
0xaa: {  	[dreg:$0x4] =	wrdreg $0xC0  }
0xab: {  	_ =	task [dreg:s7], $0x5FFFF  }
0xac: {  	[dreg:$0x1] =	wrdreg $0xFFFFFFFF  }
0xad: {  	[dreg:$0x0] =	wrdreg $0x60  }
0xae: {  	[dreg:$0x2] =	wrdreg s24  }
0xaf: {  	[dreg:$0x3] =	wrdreg s2  }
0xb0: {  	[dreg:$0x4] =	wrdreg $0x90000  }
0xb1: {  	[dreg:$0x5] =	wrdreg $0x9  }
0xb2: {  	_ =	task.clear_ibuf [dreg:s7], $0x6FFFF;
	_ =	strace $0x9000004F  }
0xb3: {  	s29 =	simm.s32 $0x9;
	_ =	strace $0x80000051  }
0xb4: {  	_ =	swait.ge [sflag:s29], $0x1  }
0xb5: {  	[sflag:s29] =	ssyncadd.s32 $0xFFFFFFFF  }
0xb6: {  	_ =	strace $0x90000051  }
0xb7: {  	_ =	sfence  }
0xb8: {  	s30 =	sld [smem:$0x0];
	_ =	sdelay $0x2  }
0xb9: {  	s31 =	sshll.u32 s1, $0xD;
	s1 =	sshrl.u32 s1, $0x2  }
0xba: {  	s3 =	sand.u32 $0x4000, s31;
	s1 =	sadd.s32 s1, s30  }
0xbb: {  	s0 =	sor.u32 s3, s0;
	s1 =	sshll.u32 s1, $0x11  }
0xbc: {  	s0 =	sor.u32 s1, s0  }
0xbd: {  	s0 =	sadd.s32 $0x8F2B, s0  }
0xbe: {  	[sflag:s0] =	ssyncadd.remote.s32 $0x1  }
0xbf: {  	_ =	sfence.sel $0xFFFF  }
0xc0: {  	[dreg:$0x0] =	wrdreg $0xFFFFFFFF;
	(pc) =	sbr.abs _section_cstart, $3  }
0xc1: {  	[dreg:$0x1] =	wrdreg $0xFFFFFFFF  }
0xc2: {  	_ =	task.clear_ibuf [dreg:s7], $0x2FFFF;
	_ =	strace $0x9FFFFFFF  }
0xc3: {  	(tm) =	ssettm $0x7FFFFFFF  }
tec
execute0_lowered:
.L_overlay_start_1:
0x0: {  	(tag) =	ssettag $0x1  }
0x1: {  	s6 =	rddreg [dreg:$0x0]  }
0x2: {  	s0 =	srdreg.scid;
	s7 =	rddreg [dreg:$0x1]  }
0x3: {  	s2 =	rddreg [dreg:$0x2];
	s1 =	stileid.u32;
	s3 =	simm.s32 $0x0  }
0x4: {  	s15 =	simm.s32 $0x2800;
	s16 =	simm.s32 $0x5000;
	s17 =	simm.s32 $0x80  }
0x5: {  	s5 =	sand.u32 $0x1, s0;
	s0 =	rddreg [dreg:$0x3];
	s9 =	smul.u32 $0x50000, s1  }
0x6: {  	s21 =	simm.s32 $0x0;
	[smem:$0x7FF] =	sst s3;
	s19 =	smul.u32 $0x2800, s1  }
0x7: {  	s31 =	sshll.u32 s1, $0x6;
	s4 =	sshll.u32 s5, $0x4;
	_ =	strace $0x80000050  }
0x8: {  	s11 =	smul.u32 $0x28000, s5;
	s12 =	ssub.s32 $0x2, s5;
	s5 =	sadd.s32 $0x34800, s6  }
0x9: {  	s4 =	sor.u32 s1, s4;
	s13 =	sshrl.u32 s12, $0x1;
	s9 =	sshrl.u32 s9, $0x2  }
0xa: {  	s8 =	smul.u32 $0x500, s4;
	s14 =	sadd.s32 s11, s6;
	s13 =	ssub.s32 s12, s13  }
0xb: {  	s4 =	sadd.s32 $0xD600, s6;
	s18 =	sadd.s32 $0x35000, s14;
	s13 =	smax.u32 s13, $0x1  }
0xc: {  	s14 =	simm.s32 $0x1;
	s10 =	sadd.s32 s8, s6;
	s6 =	sadd.s32 s9, s2  }
0xd: {  	s7 =	sadd.s32 s7, s8;
	s18 =	sadd.s32 s19, s18;
	s19 =	sor.u32 $0x1C01, s31  }
0xe: {  	s8 =	sadd.s32 $0x3600, s10;
	s9 =	sadd.s32 $0x4000, s6;
	s10 =	sadd.s32 $0x8000, s6  }
0xf: {  	s11 =	sadd.s32 $0xC000, s6;
	s12 =	sadd.s32 $0x10000, s6;
	s20 =	sshrl.u32 s6, $0x3  }
.LBB2_1:
0x10: {  	[tilespmem:s3], [sflag:$0x1] =	stream.linear.gather [hbm4b:s7+s3], $0x2780, $0x38;
	[tilespmem:$0x1D000] =	vst v63  }
0x11: {  	_ =	swait.ge [sflag:s14], $0x2780  }
0x12: {  	[sflag:s14] =	ssyncset.done $0x0  }
0x13: {  	[sflag:s14] =	ssyncadd.s32 $0xFFFFD880  }
0x14: {  	[tilespmem:s15], [sflag:$0x1] =	stream.linear.gather [hbm4b:s8+s3], $0x2780, $0x38;
	[tilespmem:$0x1D000] =	vst v63  }
0x15: {  	_ =	swait.ge [sflag:s14], $0x2780  }
0x16: {  	[sflag:s14] =	ssyncset.done $0x0  }
0x17: {  	[sflag:s14] =	ssyncadd.s32 $0xFFFFD880  }
0x18: {  	[tilespmem:s16], [sflag:$0x1] =	stream.linear.gather [hbm4b:s5+s3], $0x4000, $0x38;
	[tilespmem:$0x1D000] =	vst v63  }
0x19: {  	_ =	swait.ge [sflag:s14], $0x4000  }
0x1a: {  	[sflag:s14] =	ssyncset.done $0x0  }
0x1b: {  	[sflag:s14] =	ssyncadd.s32 $0xFFFFC000  }
0x1c: {  	[spmem:s6] =	stream.linear.scatter [tilespmem:s16], [sflag:$0x1], $0x4000, $0x38;
	[tilespmem:$0x1D000] =	vst v63  }
0x1d: {  	_ =	swait.ge [sflag:s14], $0x4000  }
0x1e: {  	[sflag:s14] =	ssyncset.done $0x0  }
0x1f: {  	[sflag:s14] =	ssyncadd.s32 $0xFFFFC000  }
0x20: {  	[spmem:s9] =	stream.linear.scatter [tilespmem:s16], [sflag:$0x1], $0x4000, $0x38;
	[tilespmem:$0x1D000] =	vst v63  }
0x21: {  	_ =	swait.ge [sflag:s14], $0x4000  }
0x22: {  	[sflag:s14] =	ssyncset.done $0x0  }
0x23: {  	[sflag:s14] =	ssyncadd.s32 $0xFFFFC000  }
0x24: {  	[spmem:s10] =	stream.linear.scatter [tilespmem:s16], [sflag:$0x1], $0x4000, $0x38;
	[tilespmem:$0x1D000] =	vst v63  }
0x25: {  	_ =	swait.ge [sflag:s14], $0x4000  }
0x26: {  	[sflag:s14] =	ssyncset.done $0x0  }
0x27: {  	[sflag:s14] =	ssyncadd.s32 $0xFFFFC000  }
0x28: {  	[spmem:s11] =	stream.linear.scatter [tilespmem:s16], [sflag:$0x1], $0x4000, $0x38;
	[tilespmem:$0x1D000] =	vst v63  }
0x29: {  	_ =	swait.ge [sflag:s14], $0x4000  }
0x2a: {  	[sflag:s14] =	ssyncset.done $0x0  }
0x2b: {  	[sflag:s14] =	ssyncadd.s32 $0xFFFFC000  }
0x2c: {  	[spmem:s12] =	stream.linear.scatter [tilespmem:s16], [sflag:$0x1], $0x4000, $0x38;
	[tilespmem:$0x1D000] =	vst v63  }
0x2d: {  	_ =	swait.ge [sflag:s14], $0x4000  }
0x2e: {  	[sflag:s14] =	ssyncset.done $0x0  }
0x2f: {  	[sflag:s14] =	ssyncadd.s32 $0xFFFFC000  }
0x30: {  	s22 =	simm.s32 $0x0;
	[bflag:$0x0] =	sbarrier.arrive $0xFFFF  }
0x31: {  	[tilespmem:s16], [sflag:$0x1] =	stream.indirect.gather [hbm4b:s4+s17], $0x80, s22, s17, $0xb8;
	[tilespmem:$0x1D000] =	vst v63  }
0x32: {  	_ =	swait.ge [sflag:s14], $0x4000  }
0x33: {  	[sflag:s14] =	ssyncset.done $0x0  }
0x34: {  	s31 =	simm.s32 $0x2800;
	[sflag:s14] =	ssyncadd.s32 $0xFFFFC000  }
0x35: {  	[spmem:s2] =	stream.indirect.scatter.add.f32 [tilespmem:s16], [sflag:$0x1], $0x80, s31, s17, $0xb8;
	[tilespmem:$0x1D000] =	vst v63  }
0x36: {  	_ =	swait.ge [sflag:s14], $0x4000  }
0x37: {  	s23 =	simm.s32 $0x400;
	s22 =	simm.s32 $0x200;
	[sflag:s14] =	ssyncset.done $0x0  }
.LBB2_2:
0x38: {  	s24 =	sshra.s32 s22, $0x2  }
0x39: {  	[sflag:s14] =	ssyncadd.s32 $0xFFFFC000;
	s22 =	smov.u32 s23;
	s25 =	sadd.s32 $0x200, s23  }
0x3a: {  	[tilespmem:s16], [sflag:$0x1] =	stream.indirect.gather [hbm4b:s4+s17], $0x80, s24, s17, $0xb8;
	[tilespmem:$0x1D000] =	vst v63  }
0x3b: {  	p0 =	sne.s32 s23, $0x9C00;
	_ =	swait.ge [sflag:s14], $0x4000  }
.Ltmp0:
0x3c: {  	[sflag:s14] =	ssyncset.done $0x0;
	(pc) =	sbr.rel @p0 .LBB2_2-.Ltmp0, $4  }
0x3d: {  	s23 =	sadd.s32 $0x2800, s24;
	[sflag:s14] =	ssyncadd.s32 $0xFFFFC000  }
0x3e: {  	[spmem:s2] =	stream.indirect.scatter.add.f32 [tilespmem:s16], [sflag:$0x1], $0x80, s23, s17, $0xb8;
	[tilespmem:$0x1D000] =	vst v63  }
0x3f: {  	_ =	swait.ge [sflag:s14], $0x4000  }
0x40: {  	s23 =	smov.u32 s25;
	[sflag:s14] =	ssyncset.done $0x0  }
0x41: {  	s22 =	sshra.s32 s22, $0x2;
	[sflag:s14] =	ssyncadd.s32 $0xFFFFC000  }
0x42: {  	[tilespmem:s16], [sflag:$0x1] =	stream.indirect.gather [hbm4b:s4+s17], $0x80, s22, s17, $0xb8;
	[tilespmem:$0x1D000] =	vst v63  }
0x43: {  	_ =	swait.ge [sflag:s14], $0x4000  }
0x44: {  	[sflag:s14] =	ssyncset.done $0x0  }
0x45: {  	s22 =	sadd.s32 $0x2800, s22;
	[sflag:s14] =	ssyncadd.s32 $0xFFFFC000  }
0x46: {  	[spmem:s2] =	stream.indirect.scatter.add.f32 [tilespmem:s16], [sflag:$0x1], $0x80, s22, s17, $0xb8;
	[tilespmem:$0x1D000] =	vst v63  }
0x47: {  	_ =	swait.ge [sflag:s14], $0x4000  }
0x48: {  	s21 =	sadd.s32 $0x1, s21;
	[sflag:s14] =	ssyncset.done $0x0  }
0x49: {  	p0 =	sne.s32 s21, s13;
	[sflag:s14] =	ssyncadd.s32 $0xFFFFC000  }
.Ltmp1:
0x4a: {  	[bflag:$0x0] =	sbarrier.arrive $0xFFFF;
	(pc) =	sbr.rel @p0 .LBB2_1-.Ltmp1, $4  }
0x4b: {  	[hbm:s18], [sflag:s19] =	dma.local [spmem:s20], $0x2800  }
0x4c: {  	_ =	swait.ge [sflag:s14], $0x2800  }
0x4d: {  	[sflag:s14] =	ssyncset.done $0x0  }
0x4e: {  	[sflag:s14] =	ssyncadd.s32 $0xFFFFD800  }
0x4f: {  	_ =	sfence.sel $0x180000  }
0x50: {  	[bflag:$0x0] =	sbarrier.arrive $0xFFFF  }
0x51: {  	p0 =	sne.s32 s1, $0x0;
	_ =	strace $0x90000050  }
0x52: {  	s0 =	sadd.s32 @!p0 $0x100000, s0;
	[bflag:$0x2] =	sbarrier.arrive $0xFFFF  }
0x53: {  	[sflag:s0] =	ssyncadd.tile.s32 @!p0 $0x1;
	_ =	shalt  }
.Lfunc_end2:
_tile_overlayer_lowered:
.L_overlay_start_2:
0x54: {  	(tag) =	ssettag $0x2  }
0x55: {  	s0 =	rddreg [dreg:$0x0];
	s2 =	stileid.u32  }
0x56: {  	s1 =	rddreg [dreg:$0x1];
	p0 =	sne.s32 s2, $0x0  }
0x57: {  	s3 =	rddreg [dreg:$0x2];
	[bflag:$0x3] =	sbarrier.arrive $0xFFFF;
	s2 =	simm.s32 @!p0 $0x1C01  }
0x58: {  	[timem:s3], [sflag:s2] =	dma.local @!p0 [hbm:s0], s1  }
0x59: {  	s0 =	simm.s32 @!p0 $0x1  }
0x5a: {  	_ =	swait.ge @!p0 [sflag:s0], s1  }
0x5b: {  	s1 =	ssub.s32 @!p0 $0x0, s1;
	[sflag:s0] =	ssyncset.done @!p0 $0x0  }
0x5c: {  	[sflag:s0] =	ssyncadd.s32 @!p0 s1  }
0x5d: {  	[bflag:$0x3] =	sbarrier.arrive $0xFFFF  }
0x5e: {  	_ =	shalt  }

</sc_bundles>
